<compile_context>
chip_gen: v7x
topology: tpu7x:2x2x1
jax: 0.10.2.dev20260603
libtpu: 0.0.44.dev20260713+nightly
codegen_flags: <defaults>
</compile_context>

<pallas_src>
import functools
import math

import jax
import jax.numpy as jnp
from jax import lax
from jax.experimental import pallas as pl
from jax.experimental.pallas import tpu as pltpu
from jax.experimental.pallas import tpu_sc as plsc

N_EXPERTS = 16
N_TOKENS = 8192
EMBED = 2048
CAP = 1024
TOK_BLK = 512
N_BLK = N_TOKENS // TOK_BLK
SELCAP = N_TOKENS + 16


def _tc_gate_body(hs_ref, w_ref, scores_ref, tbits_ref):
    i = pl.program_id(0)
    logits = lax.dot_general(
        w_ref[...], hs_ref[...], (((1,), (1,)), ((), ())),
        preferred_element_type=jnp.float32)
    scores = jax.nn.sigmoid(logits)
    scores_ref[:, pl.ds(i * TOK_BLK, TOK_BLK)] = lax.bitcast_convert_type(
        scores, jnp.int32)

    @pl.when(i == N_BLK - 1)
    def _():
        bits = scores_ref[...]

        def step(_, lohi):
            lo, hi = lohi
            mid = (lo + hi) >> 1
            cnt = jnp.sum((bits >= mid).astype(jnp.int32), axis=1,
                          keepdims=True)
            ge = cnt >= CAP
            return jnp.where(ge, mid, lo), jnp.where(ge, hi, mid)

        lo0 = jnp.zeros((N_EXPERTS, 1), jnp.int32)
        hi0 = jnp.full((N_EXPERTS, 1), 0x3F800001, jnp.int32)
        lo, _ = lax.fori_loop(0, 30, step, (lo0, hi0))
        cnt = jnp.sum((bits >= lo).astype(jnp.int32), axis=1, keepdims=True)
        nch = (cnt + 15) >> 4
        lane = lax.broadcasted_iota(jnp.int32, (N_EXPERTS, 128), 1)
        tbits_ref[...] = jnp.where(lane < 16, lo, nch)


_tc_gate = pl.pallas_call(
    _tc_gate_body,
    grid=(N_BLK,),
    in_specs=[
        pl.BlockSpec((TOK_BLK, EMBED), lambda i: (i, 0)),
        pl.BlockSpec((N_EXPERTS, EMBED), lambda i: (0, 0)),
    ],
    out_specs=[
        pl.BlockSpec((N_EXPERTS, N_TOKENS), lambda i: (0, 0)),
        pl.BlockSpec((N_EXPERTS, 128), lambda i: (0, 0)),
    ],
    out_shape=[
        jax.ShapeDtypeStruct((N_EXPERTS, N_TOKENS), jnp.int32),
        jax.ShapeDtypeStruct((N_EXPERTS, 128), jnp.int32),
    ],
)


def _radix_pass(shift_cur, shift_next, src_k, src_v, dst_k, dst_v,
                hcur, hnext, offs, nch):
    zeros16 = jnp.zeros((16,), jnp.int32)
    h0 = hcur[pl.ds(0, 16)]
    h1 = hcur[pl.ds(16, 16)]
    c0 = plsc.cumsum(h0)
    c1 = plsc.cumsum(h1)
    hcur[pl.ds(0, 16)] = c0
    tot0 = plsc.load_gather(hcur, [jnp.full((16,), 15, jnp.int32)])
    offs[pl.ds(0, 16)] = c0 - h0
    offs[pl.ds(16, 16)] = c1 - h1 + tot0
    if shift_next >= 0:
        hnext[pl.ds(0, 16)] = zeros16
        hnext[pl.ds(16, 16)] = zeros16

    def perm_body(i, _):
        k = src_k[pl.ds(i * 16, 16)]
        v = src_v[pl.ds(i * 16, 16)]
        d = 31 - ((k >> shift_cur) & 31)
        occ, lastm = plsc.scan_count(d)
        base = plsc.load_gather(offs, [d])
        dest = base + occ - 1
        plsc.store_scatter(dst_k, [dest], k)
        plsc.store_scatter(dst_v, [dest], v)
        plsc.addupdate_scatter(offs, [d], occ, mask=lastm)
        if shift_next >= 0:
            d2 = 31 - ((k >> shift_next) & 31)
            occ2, lastm2 = plsc.scan_count(d2)
            plsc.addupdate_scatter(hnext, [d2], occ2, mask=lastm2)
        return 0

    lax.fori_loop(0, nch, perm_body, 0)


def _sc_topk_body(scores_hbm, tbits_hbm, ids_hbm, obits_hbm,
                  s_v, t_v, ka, va, kb, vb, hist, hist2, offs):
    info = plsc.get_sparse_core_info()
    wid = lax.axis_index("s") * info.num_cores + lax.axis_index("c")

    @pl.when(wid < N_EXPERTS)
    def _():
        e = wid
        pltpu.sync_copy(scores_hbm.at[e], s_v)
        pltpu.sync_copy(tbits_hbm.at[e], t_v)
        t = t_v[pl.ds(0, 16)]
        lanes = lax.iota(jnp.int32, 16)
        zeros16 = jnp.zeros((16,), jnp.int32)
        hist[pl.ds(0, 16)] = zeros16
        hist[pl.ds(16, 16)] = zeros16

        @plsc.parallel_loop(0, N_TOKENS // 16, unroll=4,
                            carry=jnp.zeros((16,), jnp.int32))
        def comp_body(i, off):
            b = s_v[pl.ds(i * 16, 16)]
            m = b >= t
            pos = off + plsc.cumsum(m.astype(jnp.int32)) - 1
            plsc.store_scatter(ka, [pos], b, mask=m)
            plsc.store_scatter(va, [pos], lanes + i * 16, mask=m)
            d0 = 31 - (b & 31)
            occ0, lastm0 = plsc.scan_count(d0, mask=m)
            plsc.addupdate_scatter(hist, [d0], occ0, mask=lastm0)
            return off + plsc.all_reduce_population_count(m)

        off = comp_body
        plsc.store_scatter(ka, [off + lanes], zeros16)
        plsc.store_scatter(va, [off + lanes], zeros16)
        nchv = t_v[pl.ds(16, 16)]
        nch = jnp.minimum(nchv[0], SELCAP // 16)
        padv = nchv * 16 - off
        plsc.addupdate_scatter(hist, [jnp.full((16,), 31, jnp.int32)],
                               padv, mask=lanes == 0)

        _radix_pass(0, 5, ka, va, kb, vb, hist, hist2, offs, nch)
        _radix_pass(5, 10, kb, vb, ka, va, hist2, hist, offs, nch)
        _radix_pass(10, 15, ka, va, kb, vb, hist, hist2, offs, nch)
        _radix_pass(15, 20, kb, vb, ka, va, hist2, hist, offs, nch)
        _radix_pass(20, 25, ka, va, kb, vb, hist, hist2, offs, nch)
        _radix_pass(25, -1, kb, vb, ka, va, hist2, hist, offs, nch)

        pltpu.sync_copy(va.at[pl.ds(0, CAP)], ids_hbm.at[e])
        pltpu.sync_copy(ka.at[pl.ds(0, CAP)], obits_hbm.at[e])


_sc_topk = pl.kernel(
    _sc_topk_body,
    out_type=(
        jax.ShapeDtypeStruct((N_EXPERTS, CAP), jnp.int32),
        jax.ShapeDtypeStruct((N_EXPERTS, CAP), jnp.int32),
    ),
    mesh=plsc.VectorSubcoreMesh(core_axis_name="c", subcore_axis_name="s"),
    compiler_params=pltpu.CompilerParams(needs_layout_passes=False),
    scratch_types=[
        pltpu.VMEM((N_TOKENS,), jnp.int32),
        pltpu.VMEM((128,), jnp.int32),
        pltpu.VMEM((SELCAP,), jnp.int32),
        pltpu.VMEM((SELCAP,), jnp.int32),
        pltpu.VMEM((SELCAP,), jnp.int32),
        pltpu.VMEM((SELCAP,), jnp.int32),
        pltpu.VMEM((32,), jnp.int32),
        pltpu.VMEM((32,), jnp.int32),
        pltpu.VMEM((32,), jnp.int32),
    ],
)


def kernel(hidden_states, weight):
    hs = hidden_states.reshape(-1, EMBED)
    score_bits, tbits = _tc_gate(hs, weight)
    topk_ids, topk_bits = _sc_topk(score_bits, tbits)
    topk_score = lax.bitcast_convert_type(topk_bits, jnp.float32)
    return topk_ids, topk_score

# --- scband reference (transcript-rebuilt; emitter-appended) ---
"""Pipeline reference for scband-ecmo-egate-43121471652482 (READ-ONLY COPY).

The authoritative reference and input builder live on the scoring server;
editing this copy changes nothing except your own understanding.
"""

import jax, jax.numpy as jnp
import numpy as np
import math

EMBED_DIM = 2048
NUM_EXPERTS = 16
TOP_K = 2

def setup_inputs(seed: int = 0) -> dict:
    key = jax.random.key(seed)
    k1, k2 = jax.random.split(key)
    hidden_states = jax.random.normal(k1, (4, 2048, EMBED_DIM), dtype=jnp.float32)
    # kaiming_uniform_(a=sqrt(5)) on (NUM_EXPERTS, EMBED_DIM): bound = 1/sqrt(fan_in)
    bound = 1.0 / math.sqrt(EMBED_DIM)
    weight = jax.random.uniform(k2, (NUM_EXPERTS, EMBED_DIM), minval=-bound, maxval=bound, dtype=jnp.float32)
    return {"hidden_states": hidden_states, "weight": weight}

def reference(hidden_states, weight):
    bsz, seq_len, h = hidden_states.shape
    hs = hidden_states.reshape(-1, h)
    logits = hs @ weight.T
    scores = jax.nn.sigmoid(logits)
    num_tokens = scores.shape[0]
    num_experts = scores.shape[1]
    capacity = math.ceil(num_tokens / num_experts * TOP_K)
    # expert-choice: each expert picks `capacity` tokens
    topk_score, topk_ids = jax.lax.top_k(scores.T, capacity)
    return (topk_ids, topk_score)

if __name__ == "__main__":
    import jax
    _d = setup_inputs()
    print(jax.jit(kernel)(*tuple(_d.values())))

</pallas_src>

<mosaic_0001>
#map = affine_map<(d0, d1) -> (0, 0)>
module attributes {stable_mosaic.version = 14 : i64} {
  func.func @_sc_topk_body(%arg0: i32, %arg1: i32, %arg2: memref<16x8192xi32, #tpu.memory_space<hbm>>, %arg3: memref<16x128xi32, #tpu.memory_space<hbm>>, %arg4: memref<16x1024xi32, #tpu.memory_space<hbm>>, %arg5: memref<16x1024xi32, #tpu.memory_space<hbm>>, %arg6: memref<8192xi32, #tpu.memory_space<vmem>>, %arg7: memref<128xi32, #tpu.memory_space<vmem>>, %arg8: memref<8208xi32, #tpu.memory_space<vmem>>, %arg9: memref<8208xi32, #tpu.memory_space<vmem>>, %arg10: memref<8208xi32, #tpu.memory_space<vmem>>, %arg11: memref<8208xi32, #tpu.memory_space<vmem>>, %arg12: memref<32xi32, #tpu.memory_space<vmem>>, %arg13: memref<32xi32, #tpu.memory_space<vmem>>, %arg14: memref<32xi32, #tpu.memory_space<vmem>>) attributes {dimension_semantics = [#tpu.dimension_semantics<core_parallel>, #tpu.dimension_semantics<subcore_parallel>], iteration_bounds = array<i64: 2, 16>, scalar_prefetch = 0 : i64, scratch_operands = 9 : i64, tpu.core_type = #tpu.core_type<sc_vector_subcore>, window_params = [{transform_indices = #map}, {transform_indices = #map}, {transform_indices = #map}, {transform_indices = #map}]} {
    %mul3A = arith.constant 2 : i32
    %mul3A_0 = arith.muli %arg1, %mul3A : i32
    %add3A = arith.addi %mul3A_0, %arg0 : i32
    %lt3A = arith.constant 16 : i32
    %lt3A_1 = arith.cmpi slt, %add3A, %lt3A : i32
    %convert_element_type3A = arith.extui %lt3A_1 : i1 to i32
    %cond3A = arith.constant 0 : i32
    %cond3A_2 = arith.cmpi ne, %convert_element_type3A, %cond3A : i32
    scf.if %cond3A_2 {
      "tpu.region"() ({
        %run_scoped3A = tpu.sem_alloc : memref<!tpu.dma_semaphore, #tpu.memory_space<semaphore_mem>>
        %dma_start3A = arith.constant 0 : i32
        %dma_start3A_258 = tpu.memref_slice %arg2[%add3A, %dma_start3A] : memref<16x8192xi32, #tpu.memory_space<hbm>> -> memref<1x8192xi32, #tpu.memory_space<hbm>>
        %dma_start3A_259 = tpu.memref_squeeze %dma_start3A_258 : memref<1x8192xi32, #tpu.memory_space<hbm>> -> memref<8192xi32, #tpu.memory_space<hbm>>
        %dma_start3A_260 = arith.constant 0 : i32
        %dma_start3A_261 = tpu.memref_slice %arg2[%add3A, %dma_start3A_260] : memref<16x8192xi32, #tpu.memory_space<hbm>> -> memref<1x8192xi32, #tpu.memory_space<hbm>>
        %dma_start3A_262 = tpu.memref_squeeze %dma_start3A_261 : memref<1x8192xi32, #tpu.memory_space<hbm>> -> memref<8192xi32, #tpu.memory_space<hbm>>
        tpu.enqueue_dma source(%dma_start3A_262 : memref<8192xi32, #tpu.memory_space<hbm>>) target(%arg6 : memref<8192xi32, #tpu.memory_space<vmem>>) target_semaphore(%run_scoped3A : memref<!tpu.dma_semaphore, #tpu.memory_space<semaphore_mem>>)
        %dma_wait3A = arith.constant 0 : i32
        %dma_wait3A_263 = tpu.memref_slice %arg2[%add3A, %dma_wait3A] : memref<16x8192xi32, #tpu.memory_space<hbm>> -> memref<1x8192xi32, #tpu.memory_space<hbm>>
        %dma_wait3A_264 = tpu.memref_squeeze %dma_wait3A_263 : memref<1x8192xi32, #tpu.memory_space<hbm>> -> memref<8192xi32, #tpu.memory_space<hbm>>
        %dma_wait3A_265 = arith.constant 0 : i32
        %dma_wait3A_266 = tpu.memref_slice %arg2[%add3A, %dma_wait3A_265] : memref<16x8192xi32, #tpu.memory_space<hbm>> -> memref<1x8192xi32, #tpu.memory_space<hbm>>
        %dma_wait3A_267 = tpu.memref_squeeze %dma_wait3A_266 : memref<1x8192xi32, #tpu.memory_space<hbm>> -> memref<8192xi32, #tpu.memory_space<hbm>>
        tpu.wait_dma2 semaphore(%run_scoped3A : memref<!tpu.dma_semaphore, #tpu.memory_space<semaphore_mem>>) src(%dma_wait3A_267 : memref<8192xi32, #tpu.memory_space<hbm>>) dst(%arg6 : memref<8192xi32, #tpu.memory_space<vmem>>)
        tpu.yield
      }) : () -> ()
      "tpu.region"() ({
        %run_scoped3A = tpu.sem_alloc : memref<!tpu.dma_semaphore, #tpu.memory_space<semaphore_mem>>
        %dma_start3A = arith.constant 0 : i32
        %dma_start3A_258 = tpu.memref_slice %arg3[%add3A, %dma_start3A] : memref<16x128xi32, #tpu.memory_space<hbm>> -> memref<1x128xi32, #tpu.memory_space<hbm>>
        %dma_start3A_259 = tpu.memref_squeeze %dma_start3A_258 : memref<1x128xi32, #tpu.memory_space<hbm>> -> memref<128xi32, #tpu.memory_space<hbm>>
        %dma_start3A_260 = arith.constant 0 : i32
        %dma_start3A_261 = tpu.memref_slice %arg3[%add3A, %dma_start3A_260] : memref<16x128xi32, #tpu.memory_space<hbm>> -> memref<1x128xi32, #tpu.memory_space<hbm>>
        %dma_start3A_262 = tpu.memref_squeeze %dma_start3A_261 : memref<1x128xi32, #tpu.memory_space<hbm>> -> memref<128xi32, #tpu.memory_space<hbm>>
        tpu.enqueue_dma source(%dma_start3A_262 : memref<128xi32, #tpu.memory_space<hbm>>) target(%arg7 : memref<128xi32, #tpu.memory_space<vmem>>) target_semaphore(%run_scoped3A : memref<!tpu.dma_semaphore, #tpu.memory_space<semaphore_mem>>)
        %dma_wait3A = arith.constant 0 : i32
        %dma_wait3A_263 = tpu.memref_slice %arg3[%add3A, %dma_wait3A] : memref<16x128xi32, #tpu.memory_space<hbm>> -> memref<1x128xi32, #tpu.memory_space<hbm>>
        %dma_wait3A_264 = tpu.memref_squeeze %dma_wait3A_263 : memref<1x128xi32, #tpu.memory_space<hbm>> -> memref<128xi32, #tpu.memory_space<hbm>>
        %dma_wait3A_265 = arith.constant 0 : i32
        %dma_wait3A_266 = tpu.memref_slice %arg3[%add3A, %dma_wait3A_265] : memref<16x128xi32, #tpu.memory_space<hbm>> -> memref<1x128xi32, #tpu.memory_space<hbm>>
        %dma_wait3A_267 = tpu.memref_squeeze %dma_wait3A_266 : memref<1x128xi32, #tpu.memory_space<hbm>> -> memref<128xi32, #tpu.memory_space<hbm>>
        tpu.wait_dma2 semaphore(%run_scoped3A : memref<!tpu.dma_semaphore, #tpu.memory_space<semaphore_mem>>) src(%dma_wait3A_267 : memref<128xi32, #tpu.memory_space<hbm>>) dst(%arg7 : memref<128xi32, #tpu.memory_space<vmem>>)
        tpu.yield
      }) : () -> ()
      %get3A = arith.constant 0 : index
      %get3A_3 = tpu.vector_load %arg7[%get3A] {strides = array<i32>} : memref<128xi32, #tpu.memory_space<vmem>>, vector<16xi32>,
      %iota3A = tpu.iota {dimensions = array<i32: 0>} : vector<16xi32>
      %broadcast_in_dim3A = arith.constant 0 : i32
      %broadcast_in_dim3A_4 = vector.broadcast %broadcast_in_dim3A : i32 to vector<16xi32>
      %swap3A = arith.constant 0 : index
      %swap3A_5 = tpu.vector_load %arg12[%swap3A] {strides = array<i32>} : memref<32xi32, #tpu.memory_space<vmem>>, vector<16xi32>,
      tpu.vector_store %arg12[%swap3A], %broadcast_in_dim3A_4 {strides = array<i32>} : memref<32xi32, #tpu.memory_space<vmem>>, vector<16xi32>,
      %swap3A_6 = arith.constant 16 : index
      %swap3A_7 = tpu.vector_load %arg12[%swap3A_6] {strides = array<i32>} : memref<32xi32, #tpu.memory_space<vmem>>, vector<16xi32>,
      tpu.vector_store %arg12[%swap3A_6], %broadcast_in_dim3A_4 {strides = array<i32>} : memref<32xi32, #tpu.memory_space<vmem>>, vector<16xi32>,
      %broadcast_in_dim3A_8 = arith.constant 0 : i32
      %broadcast_in_dim3A_9 = vector.broadcast %broadcast_in_dim3A_8 : i32 to vector<16xi32>
      %parallel_loop3A = arith.constant 0 : i32
      %parallel_loop3A_10 = arith.constant 512 : i32
      %parallel_loop3A_11 = arith.constant 1 : i32
      %parallel_loop3A_12 = scf.for %parallel_loop3A_258 = %parallel_loop3A to %parallel_loop3A_10 step %parallel_loop3A_11 iter_args(%parallel_loop3A_259 = %broadcast_in_dim3A_9) -> (vector<16xi32>)  : i32 {
        %parallel_loop3A_260 = arith.constant 16 : i32
        %parallel_loop3A_261 = arith.muli %parallel_loop3A_258, %parallel_loop3A_260 : i32
        %parallel_loop3A_262 = arith.index_cast %parallel_loop3A_261 : i32 to index
        %parallel_loop3A_263 = tpu.vector_load %arg6[%parallel_loop3A_262] {strides = array<i32>} : memref<8192xi32, #tpu.memory_space<vmem>>, vector<16xi32>,
        %parallel_loop3A_264 = arith.cmpi sge, %parallel_loop3A_263, %get3A_3 : vector<16xi32>
        %parallel_loop3A_265 = arith.extui %parallel_loop3A_264 : vector<16xi1> to vector<16xi32>
        %parallel_loop3A_266 = arith.constant true
        %parallel_loop3A_267 = vector.broadcast %parallel_loop3A_266 : i1 to vector<16xi1>
        %parallel_loop3A_268 = tpu.scan <sum>, %parallel_loop3A_265 masked %parallel_loop3A_267 : vector<16xi32>, vector<16xi1> -> vector<16xi32>
        %parallel_loop3A_269 = arith.addi %parallel_loop3A_259, %parallel_loop3A_268 : vector<16xi32>
        %parallel_loop3A_270 = arith.constant 1 : i32
        %parallel_loop3A_271 = vector.broadcast %parallel_loop3A_270 : i32 to vector<16xi32>
        %parallel_loop3A_272 = arith.subi %parallel_loop3A_269, %parallel_loop3A_271 : vector<16xi32>
        tpu.vector_store_idx %arg8[%parallel_loop3A_272], %parallel_loop3A_263 masked %parallel_loop3A_264 : memref<8208xi32, #tpu.memory_space<vmem>>[vector<16xi32>], vector<16xi32>, vector<16xi1>
        %parallel_loop3A_273 = arith.constant 16 : i32
        %parallel_loop3A_274 = arith.muli %parallel_loop3A_258, %parallel_loop3A_273 : i32
        %parallel_loop3A_275 = vector.broadcast %parallel_loop3A_274 : i32 to vector<16xi32>
        %parallel_loop3A_276 = arith.addi %iota3A, %parallel_loop3A_275 : vector<16xi32>
        tpu.vector_store_idx %arg9[%parallel_loop3A_272], %parallel_loop3A_276 masked %parallel_loop3A_264 : memref<8208xi32, #tpu.memory_space<vmem>>[vector<16xi32>], vector<16xi32>, vector<16xi1>
        %parallel_loop3A_277 = arith.constant 31 : i32
        %parallel_loop3A_278 = vector.broadcast %parallel_loop3A_277 : i32 to vector<16xi32>
        %parallel_loop3A_279 = arith.andi %parallel_loop3A_263, %parallel_loop3A_278 : vector<16xi32>
        %parallel_loop3A_280 = arith.constant 31 : i32
        %parallel_loop3A_281 = vector.broadcast %parallel_loop3A_280 : i32 to vector<16xi32>
        %parallel_loop3A_282 = arith.subi %parallel_loop3A_281, %parallel_loop3A_279 : vector<16xi32>
        %parallel_loop3A_283, %parallel_loop3A_284 = tpu.scan_count mask(%parallel_loop3A_264 : vector<16xi1>) value(%parallel_loop3A_282 : vector<16xi32>) : vector<16xi1>, vector<16xi32>
        tpu.vector_store_idx %arg12[%parallel_loop3A_282], %parallel_loop3A_284 masked %parallel_loop3A_283 {add = true} : memref<32xi32, #tpu.memory_space<vmem>>[vector<16xi32>], vector<16xi32>, vector<16xi1>
        %parallel_loop3A_285 = tpu.all_reduce %parallel_loop3A_264 {dim = 0 : i64, kind = #tpu.reduction_kind<sum>} : vector<16xi1> -> vector<16xi32>
        %parallel_loop3A_286 = arith.addi %parallel_loop3A_259, %parallel_loop3A_285 : vector<16xi32>
        scf.yield %parallel_loop3A_286 : vector<16xi32>
      } {sc.loop_unroll_factor = 4 : i64, sc.parallel_access}
      %add3A_13 = arith.addi %parallel_loop3A_12, %iota3A : vector<16xi32>
      tpu.vector_store_idx %arg8[%add3A_13], %broadcast_in_dim3A_4 : memref<8208xi32, #tpu.memory_space<vmem>>[vector<16xi32>], vector<16xi32>,
      %add3A_14 = arith.addi %parallel_loop3A_12, %iota3A : vector<16xi32>
      tpu.vector_store_idx %arg9[%add3A_14], %broadcast_in_dim3A_4 : memref<8208xi32, #tpu.memory_space<vmem>>[vector<16xi32>], vector<16xi32>,
      %get3A_15 = arith.constant 16 : index
      %get3A_16 = tpu.vector_load %arg7[%get3A_15] {strides = array<i32>} : memref<128xi32, #tpu.memory_space<vmem>>, vector<16xi32>,
      %slice3A = vector.extract_strided_slice %get3A_16 {offsets = [0], sizes = [1], strides = [1]} : vector<16xi32> to vector<1xi32>
      %squeeze3A = vector.extract %slice3A[0] : i32 from vector<1xi32>
      %min3A = arith.constant 513 : i32
      %min3A_17 = arith.minsi %squeeze3A, %min3A : i32
      %mul3A_18 = arith.constant 16 : i32
      %mul3A_19 = vector.broadcast %mul3A_18 : i32 to vector<16xi32>
      %mul3A_20 = arith.muli %get3A_16, %mul3A_19 : vector<16xi32>
      %sub3A = arith.subi %mul3A_20, %parallel_loop3A_12 : vector<16xi32>
      %broadcast_in_dim3A_21 = arith.constant 31 : i32
      %broadcast_in_dim3A_22 = vector.broadcast %broadcast_in_dim3A_21 : i32 to vector<16xi32>
      %eq3A = arith.constant 0 : i32
      %eq3A_23 = vector.broadcast %eq3A : i32 to vector<16xi32>
      %eq3A_24 = arith.cmpi eq, %iota3A, %eq3A_23 : vector<16xi32>
      tpu.vector_store_idx %arg12[%broadcast_in_dim3A_22], %sub3A masked %eq3A_24 {add = true} : memref<32xi32, #tpu.memory_space<vmem>>[vector<16xi32>], vector<16xi32>, vector<16xi1>
      %broadcast_in_dim3A_25 = arith.constant 0 : i32
      %broadcast_in_dim3A_26 = vector.broadcast %broadcast_in_dim3A_25 : i32 to vector<16xi32>
      %get3A_27 = arith.constant 0 : index
      %get3A_28 = tpu.vector_load %arg12[%get3A_27] {strides = array<i32>} : memref<32xi32, #tpu.memory_space<vmem>>, vector<16xi32>,
      %get3A_29 = arith.constant 16 : index
      %get3A_30 = tpu.vector_load %arg12[%get3A_29] {strides = array<i32>} : memref<32xi32, #tpu.memory_space<vmem>>, vector<16xi32>,
      %broadcast_in_dim3A_31 = arith.constant true
      %broadcast_in_dim3A_32 = vector.broadcast %broadcast_in_dim3A_31 : i1 to vector<16xi1>
      %masked_cumsum3A = tpu.scan <sum>, %get3A_28 masked %broadcast_in_dim3A_32 : vector<16xi32>, vector<16xi1> -> vector<16xi32>
      %broadcast_in_dim3A_33 = arith.constant true
      %broadcast_in_dim3A_34 = vector.broadcast %broadcast_in_dim3A_33 : i1 to vector<16xi1>
      %masked_cumsum3A_35 = tpu.scan <sum>, %get3A_30 masked %broadcast_in_dim3A_34 : vector<16xi32>, vector<16xi1> -> vector<16xi32>
      %swap3A_36 = arith.constant 0 : index
      %swap3A_37 = tpu.vector_load %arg12[%swap3A_36] {strides = array<i32>} : memref<32xi32, #tpu.memory_space<vmem>>, vector<16xi32>,
      tpu.vector_store %arg12[%swap3A_36], %masked_cumsum3A {strides = array<i32>} : memref<32xi32, #tpu.memory_space<vmem>>, vector<16xi32>,
      %broadcast_in_dim3A_38 = arith.constant 15 : i32
      %broadcast_in_dim3A_39 = vector.broadcast %broadcast_in_dim3A_38 : i32 to vector<16xi32>
      %gather3A = tpu.vector_load_idx %arg12[%broadcast_in_dim3A_39] : memref<32xi32, #tpu.memory_space<vmem>>[vector<16xi32>], vector<16xi32>,
      %sub3A_40 = arith.subi %masked_cumsum3A, %get3A_28 : vector<16xi32>
      %swap3A_41 = arith.constant 0 : index
      %swap3A_42 = tpu.vector_load %arg14[%swap3A_41] {strides = array<i32>} : memref<32xi32, #tpu.memory_space<vmem>>, vector<16xi32>,
      tpu.vector_store %arg14[%swap3A_41], %sub3A_40 {strides = array<i32>} : memref<32xi32, #tpu.memory_space<vmem>>, vector<16xi32>,
      %sub3A_43 = arith.subi %masked_cumsum3A_35, %get3A_30 : vector<16xi32>
      %add3A_44 = arith.addi %sub3A_43, %gather3A : vector<16xi32>
      %swap3A_45 = arith.constant 16 : index
      %swap3A_46 = tpu.vector_load %arg14[%swap3A_45] {strides = array<i32>} : memref<32xi32, #tpu.memory_space<vmem>>, vector<16xi32>,
      tpu.vector_store %arg14[%swap3A_45], %add3A_44 {strides = array<i32>} : memref<32xi32, #tpu.memory_space<vmem>>, vector<16xi32>,
      %swap3A_47 = arith.constant 0 : index
      %swap3A_48 = tpu.vector_load %arg13[%swap3A_47] {strides = array<i32>} : memref<32xi32, #tpu.memory_space<vmem>>, vector<16xi32>,
      tpu.vector_store %arg13[%swap3A_47], %broadcast_in_dim3A_26 {strides = array<i32>} : memref<32xi32, #tpu.memory_space<vmem>>, vector<16xi32>,
      %swap3A_49 = arith.constant 16 : index
      %swap3A_50 = tpu.vector_load %arg13[%swap3A_49] {strides = array<i32>} : memref<32xi32, #tpu.memory_space<vmem>>, vector<16xi32>,
      tpu.vector_store %arg13[%swap3A_49], %broadcast_in_dim3A_26 {strides = array<i32>} : memref<32xi32, #tpu.memory_space<vmem>>, vector<16xi32>,
      %while3A = arith.constant 0 : i32
      %while3A_51 = arith.constant 0 : i32
      %while3A_52 = arith.subi %min3A_17, %while3A : i32
      %while3A_53 = arith.addi %while3A, %while3A_52 : i32
      %while3A_54 = arith.constant 1 : i32
      %while3A_55 = arith.divsi %while3A_52, %while3A_54 : i32
      %while3A_56 = arith.muli %while3A_55, %while3A_54 : i32
      %while3A_57 = arith.addi %while3A, %while3A_56 : i32
      %while3A_58 = arith.constant 1 : i32
      %while3A_59 = scf.for %while3A_258 = %while3A to %while3A_57 step %while3A_58 iter_args(%while3A_259 = %while3A_51) -> (i32)  : i32 {
        %mul3A_260 = arith.constant 16 : i32
        %mul3A_261 = arith.muli %while3A_258, %mul3A_260 : i32
        %get3A_262 = arith.index_cast %mul3A_261 : i32 to index
        %get3A_263 = tpu.vector_load %arg8[%get3A_262] {strides = array<i32>} : memref<8208xi32, #tpu.memory_space<vmem>>, vector<16xi32>,
        %mul3A_264 = arith.constant 16 : i32
        %mul3A_265 = arith.muli %while3A_258, %mul3A_264 : i32
        %get3A_266 = arith.index_cast %mul3A_265 : i32 to index
        %get3A_267 = tpu.vector_load %arg9[%get3A_266] {strides = array<i32>} : memref<8208xi32, #tpu.memory_space<vmem>>, vector<16xi32>,
        %shift_right_arithmetic3A = arith.constant 0 : i32
        %shift_right_arithmetic3A_268 = vector.broadcast %shift_right_arithmetic3A : i32 to vector<16xi32>
        %shift_right_arithmetic3A_269 = arith.shrsi %get3A_263, %shift_right_arithmetic3A_268 : vector<16xi32>
        %and3A = arith.constant 31 : i32
        %and3A_270 = vector.broadcast %and3A : i32 to vector<16xi32>
        %and3A_271 = arith.andi %shift_right_arithmetic3A_269, %and3A_270 : vector<16xi32>
        %sub3A_272 = arith.constant 31 : i32
        %sub3A_273 = vector.broadcast %sub3A_272 : i32 to vector<16xi32>
        %sub3A_274 = arith.subi %sub3A_273, %and3A_271 : vector<16xi32>
        %broadcast_in_dim3A_275 = arith.constant true
        %broadcast_in_dim3A_276 = vector.broadcast %broadcast_in_dim3A_275 : i1 to vector<16xi1>
        %unique3A, %unique3A_277 = tpu.scan_count mask(%broadcast_in_dim3A_276 : vector<16xi1>) value(%sub3A_274 : vector<16xi32>) : vector<16xi1>, vector<16xi32>
        %gather3A_278 = tpu.vector_load_idx %arg14[%sub3A_274] : memref<32xi32, #tpu.memory_space<vmem>>[vector<16xi32>], vector<16xi32>,
        %add3A_279 = arith.addi %gather3A_278, %unique3A_277 : vector<16xi32>
        %sub3A_280 = arith.constant 1 : i32
        %sub3A_281 = vector.broadcast %sub3A_280 : i32 to vector<16xi32>
        %sub3A_282 = arith.subi %add3A_279, %sub3A_281 : vector<16xi32>
        tpu.vector_store_idx %arg10[%sub3A_282], %get3A_263 : memref<8208xi32, #tpu.memory_space<vmem>>[vector<16xi32>], vector<16xi32>,
        tpu.vector_store_idx %arg11[%sub3A_282], %get3A_267 : memref<8208xi32, #tpu.memory_space<vmem>>[vector<16xi32>], vector<16xi32>,
        tpu.vector_store_idx %arg14[%sub3A_274], %unique3A_277 masked %unique3A {add = true} : memref<32xi32, #tpu.memory_space<vmem>>[vector<16xi32>], vector<16xi32>, vector<16xi1>
        %shift_right_arithmetic3A_283 = arith.constant 5 : i32
        %shift_right_arithmetic3A_284 = vector.broadcast %shift_right_arithmetic3A_283 : i32 to vector<16xi32>
        %shift_right_arithmetic3A_285 = arith.shrsi %get3A_263, %shift_right_arithmetic3A_284 : vector<16xi32>
        %and3A_286 = arith.constant 31 : i32
        %and3A_287 = vector.broadcast %and3A_286 : i32 to vector<16xi32>
        %and3A_288 = arith.andi %shift_right_arithmetic3A_285, %and3A_287 : vector<16xi32>
        %sub3A_289 = arith.constant 31 : i32
        %sub3A_290 = vector.broadcast %sub3A_289 : i32 to vector<16xi32>
        %sub3A_291 = arith.subi %sub3A_290, %and3A_288 : vector<16xi32>
        %broadcast_in_dim3A_292 = arith.constant true
        %broadcast_in_dim3A_293 = vector.broadcast %broadcast_in_dim3A_292 : i1 to vector<16xi1>
        %unique3A_294, %unique3A_295 = tpu.scan_count mask(%broadcast_in_dim3A_293 : vector<16xi1>) value(%sub3A_291 : vector<16xi32>) : vector<16xi1>, vector<16xi32>
        tpu.vector_store_idx %arg13[%sub3A_291], %unique3A_295 masked %unique3A_294 {add = true} : memref<32xi32, #tpu.memory_space<vmem>>[vector<16xi32>], vector<16xi32>, vector<16xi1>
        %while3A_296 = arith.constant 0 : i32
        scf.yield %while3A_296 : i32
      }
      %while3A_60 = arith.constant 1 : i32
      %while3A_61 = scf.for %while3A_258 = %while3A_57 to %while3A_53 step %while3A_60 iter_args(%while3A_259 = %while3A_59) -> (i32)  : i32 {
        %mul3A_260 = arith.constant 16 : i32
        %mul3A_261 = arith.muli %while3A_258, %mul3A_260 : i32
        %get3A_262 = arith.index_cast %mul3A_261 : i32 to index
        %get3A_263 = tpu.vector_load %arg8[%get3A_262] {strides = array<i32>} : memref<8208xi32, #tpu.memory_space<vmem>>, vector<16xi32>,
        %mul3A_264 = arith.constant 16 : i32
        %mul3A_265 = arith.muli %while3A_258, %mul3A_264 : i32
        %get3A_266 = arith.index_cast %mul3A_265 : i32 to index
        %get3A_267 = tpu.vector_load %arg9[%get3A_266] {strides = array<i32>} : memref<8208xi32, #tpu.memory_space<vmem>>, vector<16xi32>,
        %shift_right_arithmetic3A = arith.constant 0 : i32
        %shift_right_arithmetic3A_268 = vector.broadcast %shift_right_arithmetic3A : i32 to vector<16xi32>
        %shift_right_arithmetic3A_269 = arith.shrsi %get3A_263, %shift_right_arithmetic3A_268 : vector<16xi32>
        %and3A = arith.constant 31 : i32
        %and3A_270 = vector.broadcast %and3A : i32 to vector<16xi32>
        %and3A_271 = arith.andi %shift_right_arithmetic3A_269, %and3A_270 : vector<16xi32>
        %sub3A_272 = arith.constant 31 : i32
        %sub3A_273 = vector.broadcast %sub3A_272 : i32 to vector<16xi32>
        %sub3A_274 = arith.subi %sub3A_273, %and3A_271 : vector<16xi32>
        %broadcast_in_dim3A_275 = arith.constant true
        %broadcast_in_dim3A_276 = vector.broadcast %broadcast_in_dim3A_275 : i1 to vector<16xi1>
        %unique3A, %unique3A_277 = tpu.scan_count mask(%broadcast_in_dim3A_276 : vector<16xi1>) value(%sub3A_274 : vector<16xi32>) : vector<16xi1>, vector<16xi32>
        %gather3A_278 = tpu.vector_load_idx %arg14[%sub3A_274] : memref<32xi32, #tpu.memory_space<vmem>>[vector<16xi32>], vector<16xi32>,
        %add3A_279 = arith.addi %gather3A_278, %unique3A_277 : vector<16xi32>
        %sub3A_280 = arith.constant 1 : i32
        %sub3A_281 = vector.broadcast %sub3A_280 : i32 to vector<16xi32>
        %sub3A_282 = arith.subi %add3A_279, %sub3A_281 : vector<16xi32>
        tpu.vector_store_idx %arg10[%sub3A_282], %get3A_263 : memref<8208xi32, #tpu.memory_space<vmem>>[vector<16xi32>], vector<16xi32>,
        tpu.vector_store_idx %arg11[%sub3A_282], %get3A_267 : memref<8208xi32, #tpu.memory_space<vmem>>[vector<16xi32>], vector<16xi32>,
        tpu.vector_store_idx %arg14[%sub3A_274], %unique3A_277 masked %unique3A {add = true} : memref<32xi32, #tpu.memory_space<vmem>>[vector<16xi32>], vector<16xi32>, vector<16xi1>
        %shift_right_arithmetic3A_283 = arith.constant 5 : i32
        %shift_right_arithmetic3A_284 = vector.broadcast %shift_right_arithmetic3A_283 : i32 to vector<16xi32>
        %shift_right_arithmetic3A_285 = arith.shrsi %get3A_263, %shift_right_arithmetic3A_284 : vector<16xi32>
        %and3A_286 = arith.constant 31 : i32
        %and3A_287 = vector.broadcast %and3A_286 : i32 to vector<16xi32>
        %and3A_288 = arith.andi %shift_right_arithmetic3A_285, %and3A_287 : vector<16xi32>
        %sub3A_289 = arith.constant 31 : i32
        %sub3A_290 = vector.broadcast %sub3A_289 : i32 to vector<16xi32>
        %sub3A_291 = arith.subi %sub3A_290, %and3A_288 : vector<16xi32>
        %broadcast_in_dim3A_292 = arith.constant true
        %broadcast_in_dim3A_293 = vector.broadcast %broadcast_in_dim3A_292 : i1 to vector<16xi1>
        %unique3A_294, %unique3A_295 = tpu.scan_count mask(%broadcast_in_dim3A_293 : vector<16xi1>) value(%sub3A_291 : vector<16xi32>) : vector<16xi1>, vector<16xi32>
        tpu.vector_store_idx %arg13[%sub3A_291], %unique3A_295 masked %unique3A_294 {add = true} : memref<32xi32, #tpu.memory_space<vmem>>[vector<16xi32>], vector<16xi32>, vector<16xi1>
        %while3A_296 = arith.constant 0 : i32
        scf.yield %while3A_296 : i32
      }
      %broadcast_in_dim3A_62 = arith.constant 0 : i32
      %broadcast_in_dim3A_63 = vector.broadcast %broadcast_in_dim3A_62 : i32 to vector<16xi32>
      %get3A_64 = arith.constant 0 : index
      %get3A_65 = tpu.vector_load %arg13[%get3A_64] {strides = array<i32>} : memref<32xi32, #tpu.memory_space<vmem>>, vector<16xi32>,
      %get3A_66 = arith.constant 16 : index
      %get3A_67 = tpu.vector_load %arg13[%get3A_66] {strides = array<i32>} : memref<32xi32, #tpu.memory_space<vmem>>, vector<16xi32>,
      %broadcast_in_dim3A_68 = arith.constant true
      %broadcast_in_dim3A_69 = vector.broadcast %broadcast_in_dim3A_68 : i1 to vector<16xi1>
      %masked_cumsum3A_70 = tpu.scan <sum>, %get3A_65 masked %broadcast_in_dim3A_69 : vector<16xi32>, vector<16xi1> -> vector<16xi32>
      %broadcast_in_dim3A_71 = arith.constant true
      %broadcast_in_dim3A_72 = vector.broadcast %broadcast_in_dim3A_71 : i1 to vector<16xi1>
      %masked_cumsum3A_73 = tpu.scan <sum>, %get3A_67 masked %broadcast_in_dim3A_72 : vector<16xi32>, vector<16xi1> -> vector<16xi32>
      %swap3A_74 = arith.constant 0 : index
      %swap3A_75 = tpu.vector_load %arg13[%swap3A_74] {strides = array<i32>} : memref<32xi32, #tpu.memory_space<vmem>>, vector<16xi32>,
      tpu.vector_store %arg13[%swap3A_74], %masked_cumsum3A_70 {strides = array<i32>} : memref<32xi32, #tpu.memory_space<vmem>>, vector<16xi32>,
      %broadcast_in_dim3A_76 = arith.constant 15 : i32
      %broadcast_in_dim3A_77 = vector.broadcast %broadcast_in_dim3A_76 : i32 to vector<16xi32>
      %gather3A_78 = tpu.vector_load_idx %arg13[%broadcast_in_dim3A_77] : memref<32xi32, #tpu.memory_space<vmem>>[vector<16xi32>], vector<16xi32>,
      %sub3A_79 = arith.subi %masked_cumsum3A_70, %get3A_65 : vector<16xi32>
      %swap3A_80 = arith.constant 0 : index
      %swap3A_81 = tpu.vector_load %arg14[%swap3A_80] {strides = array<i32>} : memref<32xi32, #tpu.memory_space<vmem>>, vector<16xi32>,
      tpu.vector_store %arg14[%swap3A_80], %sub3A_79 {strides = array<i32>} : memref<32xi32, #tpu.memory_space<vmem>>, vector<16xi32>,
      %sub3A_82 = arith.subi %masked_cumsum3A_73, %get3A_67 : vector<16xi32>
      %add3A_83 = arith.addi %sub3A_82, %gather3A_78 : vector<16xi32>
      %swap3A_84 = arith.constant 16 : index
      %swap3A_85 = tpu.vector_load %arg14[%swap3A_84] {strides = array<i32>} : memref<32xi32, #tpu.memory_space<vmem>>, vector<16xi32>,
      tpu.vector_store %arg14[%swap3A_84], %add3A_83 {strides = array<i32>} : memref<32xi32, #tpu.memory_space<vmem>>, vector<16xi32>,
      %swap3A_86 = arith.constant 0 : index
      %swap3A_87 = tpu.vector_load %arg12[%swap3A_86] {strides = array<i32>} : memref<32xi32, #tpu.memory_space<vmem>>, vector<16xi32>,
      tpu.vector_store %arg12[%swap3A_86], %broadcast_in_dim3A_63 {strides = array<i32>} : memref<32xi32, #tpu.memory_space<vmem>>, vector<16xi32>,
      %swap3A_88 = arith.constant 16 : index
      %swap3A_89 = tpu.vector_load %arg12[%swap3A_88] {strides = array<i32>} : memref<32xi32, #tpu.memory_space<vmem>>, vector<16xi32>,
      tpu.vector_store %arg12[%swap3A_88], %broadcast_in_dim3A_63 {strides = array<i32>} : memref<32xi32, #tpu.memory_space<vmem>>, vector<16xi32>,
      %while3A_90 = arith.constant 0 : i32
      %while3A_91 = arith.constant 0 : i32
      %while3A_92 = arith.subi %min3A_17, %while3A_90 : i32
      %while3A_93 = arith.addi %while3A_90, %while3A_92 : i32
      %while3A_94 = arith.constant 1 : i32
      %while3A_95 = arith.divsi %while3A_92, %while3A_94 : i32
      %while3A_96 = arith.muli %while3A_95, %while3A_94 : i32
      %while3A_97 = arith.addi %while3A_90, %while3A_96 : i32
      %while3A_98 = arith.constant 1 : i32
      %while3A_99 = scf.for %while3A_258 = %while3A_90 to %while3A_97 step %while3A_98 iter_args(%while3A_259 = %while3A_91) -> (i32)  : i32 {
        %mul3A_260 = arith.constant 16 : i32
        %mul3A_261 = arith.muli %while3A_258, %mul3A_260 : i32
        %get3A_262 = arith.index_cast %mul3A_261 : i32 to index
        %get3A_263 = tpu.vector_load %arg10[%get3A_262] {strides = array<i32>} : memref<8208xi32, #tpu.memory_space<vmem>>, vector<16xi32>,
        %mul3A_264 = arith.constant 16 : i32
        %mul3A_265 = arith.muli %while3A_258, %mul3A_264 : i32
        %get3A_266 = arith.index_cast %mul3A_265 : i32 to index
        %get3A_267 = tpu.vector_load %arg11[%get3A_266] {strides = array<i32>} : memref<8208xi32, #tpu.memory_space<vmem>>, vector<16xi32>,
        %shift_right_arithmetic3A = arith.constant 5 : i32
        %shift_right_arithmetic3A_268 = vector.broadcast %shift_right_arithmetic3A : i32 to vector<16xi32>
        %shift_right_arithmetic3A_269 = arith.shrsi %get3A_263, %shift_right_arithmetic3A_268 : vector<16xi32>
        %and3A = arith.constant 31 : i32
        %and3A_270 = vector.broadcast %and3A : i32 to vector<16xi32>
        %and3A_271 = arith.andi %shift_right_arithmetic3A_269, %and3A_270 : vector<16xi32>
        %sub3A_272 = arith.constant 31 : i32
        %sub3A_273 = vector.broadcast %sub3A_272 : i32 to vector<16xi32>
        %sub3A_274 = arith.subi %sub3A_273, %and3A_271 : vector<16xi32>
        %broadcast_in_dim3A_275 = arith.constant true
        %broadcast_in_dim3A_276 = vector.broadcast %broadcast_in_dim3A_275 : i1 to vector<16xi1>
        %unique3A, %unique3A_277 = tpu.scan_count mask(%broadcast_in_dim3A_276 : vector<16xi1>) value(%sub3A_274 : vector<16xi32>) : vector<16xi1>, vector<16xi32>
        %gather3A_278 = tpu.vector_load_idx %arg14[%sub3A_274] : memref<32xi32, #tpu.memory_space<vmem>>[vector<16xi32>], vector<16xi32>,
        %add3A_279 = arith.addi %gather3A_278, %unique3A_277 : vector<16xi32>
        %sub3A_280 = arith.constant 1 : i32
        %sub3A_281 = vector.broadcast %sub3A_280 : i32 to vector<16xi32>
        %sub3A_282 = arith.subi %add3A_279, %sub3A_281 : vector<16xi32>
        tpu.vector_store_idx %arg8[%sub3A_282], %get3A_263 : memref<8208xi32, #tpu.memory_space<vmem>>[vector<16xi32>], vector<16xi32>,
        tpu.vector_store_idx %arg9[%sub3A_282], %get3A_267 : memref<8208xi32, #tpu.memory_space<vmem>>[vector<16xi32>], vector<16xi32>,
        tpu.vector_store_idx %arg14[%sub3A_274], %unique3A_277 masked %unique3A {add = true} : memref<32xi32, #tpu.memory_space<vmem>>[vector<16xi32>], vector<16xi32>, vector<16xi1>
        %shift_right_arithmetic3A_283 = arith.constant 10 : i32
        %shift_right_arithmetic3A_284 = vector.broadcast %shift_right_arithmetic3A_283 : i32 to vector<16xi32>
        %shift_right_arithmetic3A_285 = arith.shrsi %get3A_263, %shift_right_arithmetic3A_284 : vector<16xi32>
        %and3A_286 = arith.constant 31 : i32
        %and3A_287 = vector.broadcast %and3A_286 : i32 to vector<16xi32>
        %and3A_288 = arith.andi %shift_right_arithmetic3A_285, %and3A_287 : vector<16xi32>
        %sub3A_289 = arith.constant 31 : i32
        %sub3A_290 = vector.broadcast %sub3A_289 : i32 to vector<16xi32>
        %sub3A_291 = arith.subi %sub3A_290, %and3A_288 : vector<16xi32>
        %broadcast_in_dim3A_292 = arith.constant true
        %broadcast_in_dim3A_293 = vector.broadcast %broadcast_in_dim3A_292 : i1 to vector<16xi1>
        %unique3A_294, %unique3A_295 = tpu.scan_count mask(%broadcast_in_dim3A_293 : vector<16xi1>) value(%sub3A_291 : vector<16xi32>) : vector<16xi1>, vector<16xi32>
        tpu.vector_store_idx %arg12[%sub3A_291], %unique3A_295 masked %unique3A_294 {add = true} : memref<32xi32, #tpu.memory_space<vmem>>[vector<16xi32>], vector<16xi32>, vector<16xi1>
        %while3A_296 = arith.constant 0 : i32
        scf.yield %while3A_296 : i32
      }
      %while3A_100 = arith.constant 1 : i32
      %while3A_101 = scf.for %while3A_258 = %while3A_97 to %while3A_93 step %while3A_100 iter_args(%while3A_259 = %while3A_99) -> (i32)  : i32 {
        %mul3A_260 = arith.constant 16 : i32
        %mul3A_261 = arith.muli %while3A_258, %mul3A_260 : i32
        %get3A_262 = arith.index_cast %mul3A_261 : i32 to index
        %get3A_263 = tpu.vector_load %arg10[%get3A_262] {strides = array<i32>} : memref<8208xi32, #tpu.memory_space<vmem>>, vector<16xi32>,
        %mul3A_264 = arith.constant 16 : i32
        %mul3A_265 = arith.muli %while3A_258, %mul3A_264 : i32
        %get3A_266 = arith.index_cast %mul3A_265 : i32 to index
        %get3A_267 = tpu.vector_load %arg11[%get3A_266] {strides = array<i32>} : memref<8208xi32, #tpu.memory_space<vmem>>, vector<16xi32>,
        %shift_right_arithmetic3A = arith.constant 5 : i32
        %shift_right_arithmetic3A_268 = vector.broadcast %shift_right_arithmetic3A : i32 to vector<16xi32>
        %shift_right_arithmetic3A_269 = arith.shrsi %get3A_263, %shift_right_arithmetic3A_268 : vector<16xi32>
        %and3A = arith.constant 31 : i32
        %and3A_270 = vector.broadcast %and3A : i32 to vector<16xi32>
        %and3A_271 = arith.andi %shift_right_arithmetic3A_269, %and3A_270 : vector<16xi32>
        %sub3A_272 = arith.constant 31 : i32
        %sub3A_273 = vector.broadcast %sub3A_272 : i32 to vector<16xi32>
        %sub3A_274 = arith.subi %sub3A_273, %and3A_271 : vector<16xi32>
        %broadcast_in_dim3A_275 = arith.constant true
        %broadcast_in_dim3A_276 = vector.broadcast %broadcast_in_dim3A_275 : i1 to vector<16xi1>
        %unique3A, %unique3A_277 = tpu.scan_count mask(%broadcast_in_dim3A_276 : vector<16xi1>) value(%sub3A_274 : vector<16xi32>) : vector<16xi1>, vector<16xi32>
        %gather3A_278 = tpu.vector_load_idx %arg14[%sub3A_274] : memref<32xi32, #tpu.memory_space<vmem>>[vector<16xi32>], vector<16xi32>,
        %add3A_279 = arith.addi %gather3A_278, %unique3A_277 : vector<16xi32>
        %sub3A_280 = arith.constant 1 : i32
        %sub3A_281 = vector.broadcast %sub3A_280 : i32 to vector<16xi32>
        %sub3A_282 = arith.subi %add3A_279, %sub3A_281 : vector<16xi32>
        tpu.vector_store_idx %arg8[%sub3A_282], %get3A_263 : memref<8208xi32, #tpu.memory_space<vmem>>[vector<16xi32>], vector<16xi32>,
        tpu.vector_store_idx %arg9[%sub3A_282], %get3A_267 : memref<8208xi32, #tpu.memory_space<vmem>>[vector<16xi32>], vector<16xi32>,
        tpu.vector_store_idx %arg14[%sub3A_274], %unique3A_277 masked %unique3A {add = true} : memref<32xi32, #tpu.memory_space<vmem>>[vector<16xi32>], vector<16xi32>, vector<16xi1>
        %shift_right_arithmetic3A_283 = arith.constant 10 : i32
        %shift_right_arithmetic3A_284 = vector.broadcast %shift_right_arithmetic3A_283 : i32 to vector<16xi32>
        %shift_right_arithmetic3A_285 = arith.shrsi %get3A_263, %shift_right_arithmetic3A_284 : vector<16xi32>
        %and3A_286 = arith.constant 31 : i32
        %and3A_287 = vector.broadcast %and3A_286 : i32 to vector<16xi32>
        %and3A_288 = arith.andi %shift_right_arithmetic3A_285, %and3A_287 : vector<16xi32>
        %sub3A_289 = arith.constant 31 : i32
        %sub3A_290 = vector.broadcast %sub3A_289 : i32 to vector<16xi32>
        %sub3A_291 = arith.subi %sub3A_290, %and3A_288 : vector<16xi32>
        %broadcast_in_dim3A_292 = arith.constant true
        %broadcast_in_dim3A_293 = vector.broadcast %broadcast_in_dim3A_292 : i1 to vector<16xi1>
        %unique3A_294, %unique3A_295 = tpu.scan_count mask(%broadcast_in_dim3A_293 : vector<16xi1>) value(%sub3A_291 : vector<16xi32>) : vector<16xi1>, vector<16xi32>
        tpu.vector_store_idx %arg12[%sub3A_291], %unique3A_295 masked %unique3A_294 {add = true} : memref<32xi32, #tpu.memory_space<vmem>>[vector<16xi32>], vector<16xi32>, vector<16xi1>
        %while3A_296 = arith.constant 0 : i32
        scf.yield %while3A_296 : i32
      }
      %broadcast_in_dim3A_102 = arith.constant 0 : i32
      %broadcast_in_dim3A_103 = vector.broadcast %broadcast_in_dim3A_102 : i32 to vector<16xi32>
      %get3A_104 = arith.constant 0 : index
      %get3A_105 = tpu.vector_load %arg12[%get3A_104] {strides = array<i32>} : memref<32xi32, #tpu.memory_space<vmem>>, vector<16xi32>,
      %get3A_106 = arith.constant 16 : index
      %get3A_107 = tpu.vector_load %arg12[%get3A_106] {strides = array<i32>} : memref<32xi32, #tpu.memory_space<vmem>>, vector<16xi32>,
      %broadcast_in_dim3A_108 = arith.constant true
      %broadcast_in_dim3A_109 = vector.broadcast %broadcast_in_dim3A_108 : i1 to vector<16xi1>
      %masked_cumsum3A_110 = tpu.scan <sum>, %get3A_105 masked %broadcast_in_dim3A_109 : vector<16xi32>, vector<16xi1> -> vector<16xi32>
      %broadcast_in_dim3A_111 = arith.constant true
      %broadcast_in_dim3A_112 = vector.broadcast %broadcast_in_dim3A_111 : i1 to vector<16xi1>
      %masked_cumsum3A_113 = tpu.scan <sum>, %get3A_107 masked %broadcast_in_dim3A_112 : vector<16xi32>, vector<16xi1> -> vector<16xi32>
      %swap3A_114 = arith.constant 0 : index
      %swap3A_115 = tpu.vector_load %arg12[%swap3A_114] {strides = array<i32>} : memref<32xi32, #tpu.memory_space<vmem>>, vector<16xi32>,
      tpu.vector_store %arg12[%swap3A_114], %masked_cumsum3A_110 {strides = array<i32>} : memref<32xi32, #tpu.memory_space<vmem>>, vector<16xi32>,
      %broadcast_in_dim3A_116 = arith.constant 15 : i32
      %broadcast_in_dim3A_117 = vector.broadcast %broadcast_in_dim3A_116 : i32 to vector<16xi32>
      %gather3A_118 = tpu.vector_load_idx %arg12[%broadcast_in_dim3A_117] : memref<32xi32, #tpu.memory_space<vmem>>[vector<16xi32>], vector<16xi32>,
      %sub3A_119 = arith.subi %masked_cumsum3A_110, %get3A_105 : vector<16xi32>
      %swap3A_120 = arith.constant 0 : index
      %swap3A_121 = tpu.vector_load %arg14[%swap3A_120] {strides = array<i32>} : memref<32xi32, #tpu.memory_space<vmem>>, vector<16xi32>,
      tpu.vector_store %arg14[%swap3A_120], %sub3A_119 {strides = array<i32>} : memref<32xi32, #tpu.memory_space<vmem>>, vector<16xi32>,
      %sub3A_122 = arith.subi %masked_cumsum3A_113, %get3A_107 : vector<16xi32>
      %add3A_123 = arith.addi %sub3A_122, %gather3A_118 : vector<16xi32>
      %swap3A_124 = arith.constant 16 : index
      %swap3A_125 = tpu.vector_load %arg14[%swap3A_124] {strides = array<i32>} : memref<32xi32, #tpu.memory_space<vmem>>, vector<16xi32>,
      tpu.vector_store %arg14[%swap3A_124], %add3A_123 {strides = array<i32>} : memref<32xi32, #tpu.memory_space<vmem>>, vector<16xi32>,
      %swap3A_126 = arith.constant 0 : index
      %swap3A_127 = tpu.vector_load %arg13[%swap3A_126] {strides = array<i32>} : memref<32xi32, #tpu.memory_space<vmem>>, vector<16xi32>,
      tpu.vector_store %arg13[%swap3A_126], %broadcast_in_dim3A_103 {strides = array<i32>} : memref<32xi32, #tpu.memory_space<vmem>>, vector<16xi32>,
      %swap3A_128 = arith.constant 16 : index
      %swap3A_129 = tpu.vector_load %arg13[%swap3A_128] {strides = array<i32>} : memref<32xi32, #tpu.memory_space<vmem>>, vector<16xi32>,
      tpu.vector_store %arg13[%swap3A_128], %broadcast_in_dim3A_103 {strides = array<i32>} : memref<32xi32, #tpu.memory_space<vmem>>, vector<16xi32>,
      %while3A_130 = arith.constant 0 : i32
      %while3A_131 = arith.constant 0 : i32
      %while3A_132 = arith.subi %min3A_17, %while3A_130 : i32
      %while3A_133 = arith.addi %while3A_130, %while3A_132 : i32
      %while3A_134 = arith.constant 1 : i32
      %while3A_135 = arith.divsi %while3A_132, %while3A_134 : i32
      %while3A_136 = arith.muli %while3A_135, %while3A_134 : i32
      %while3A_137 = arith.addi %while3A_130, %while3A_136 : i32
      %while3A_138 = arith.constant 1 : i32
      %while3A_139 = scf.for %while3A_258 = %while3A_130 to %while3A_137 step %while3A_138 iter_args(%while3A_259 = %while3A_131) -> (i32)  : i32 {
        %mul3A_260 = arith.constant 16 : i32
        %mul3A_261 = arith.muli %while3A_258, %mul3A_260 : i32
        %get3A_262 = arith.index_cast %mul3A_261 : i32 to index
        %get3A_263 = tpu.vector_load %arg8[%get3A_262] {strides = array<i32>} : memref<8208xi32, #tpu.memory_space<vmem>>, vector<16xi32>,
        %mul3A_264 = arith.constant 16 : i32
        %mul3A_265 = arith.muli %while3A_258, %mul3A_264 : i32
        %get3A_266 = arith.index_cast %mul3A_265 : i32 to index
        %get3A_267 = tpu.vector_load %arg9[%get3A_266] {strides = array<i32>} : memref<8208xi32, #tpu.memory_space<vmem>>, vector<16xi32>,
        %shift_right_arithmetic3A = arith.constant 10 : i32
        %shift_right_arithmetic3A_268 = vector.broadcast %shift_right_arithmetic3A : i32 to vector<16xi32>
        %shift_right_arithmetic3A_269 = arith.shrsi %get3A_263, %shift_right_arithmetic3A_268 : vector<16xi32>
        %and3A = arith.constant 31 : i32
        %and3A_270 = vector.broadcast %and3A : i32 to vector<16xi32>
        %and3A_271 = arith.andi %shift_right_arithmetic3A_269, %and3A_270 : vector<16xi32>
        %sub3A_272 = arith.constant 31 : i32
        %sub3A_273 = vector.broadcast %sub3A_272 : i32 to vector<16xi32>
        %sub3A_274 = arith.subi %sub3A_273, %and3A_271 : vector<16xi32>
        %broadcast_in_dim3A_275 = arith.constant true
        %broadcast_in_dim3A_276 = vector.broadcast %broadcast_in_dim3A_275 : i1 to vector<16xi1>
        %unique3A, %unique3A_277 = tpu.scan_count mask(%broadcast_in_dim3A_276 : vector<16xi1>) value(%sub3A_274 : vector<16xi32>) : vector<16xi1>, vector<16xi32>
        %gather3A_278 = tpu.vector_load_idx %arg14[%sub3A_274] : memref<32xi32, #tpu.memory_space<vmem>>[vector<16xi32>], vector<16xi32>,
        %add3A_279 = arith.addi %gather3A_278, %unique3A_277 : vector<16xi32>
        %sub3A_280 = arith.constant 1 : i32
        %sub3A_281 = vector.broadcast %sub3A_280 : i32 to vector<16xi32>
        %sub3A_282 = arith.subi %add3A_279, %sub3A_281 : vector<16xi32>
        tpu.vector_store_idx %arg10[%sub3A_282], %get3A_263 : memref<8208xi32, #tpu.memory_space<vmem>>[vector<16xi32>], vector<16xi32>,
        tpu.vector_store_idx %arg11[%sub3A_282], %get3A_267 : memref<8208xi32, #tpu.memory_space<vmem>>[vector<16xi32>], vector<16xi32>,
        tpu.vector_store_idx %arg14[%sub3A_274], %unique3A_277 masked %unique3A {add = true} : memref<32xi32, #tpu.memory_space<vmem>>[vector<16xi32>], vector<16xi32>, vector<16xi1>
        %shift_right_arithmetic3A_283 = arith.constant 15 : i32
        %shift_right_arithmetic3A_284 = vector.broadcast %shift_right_arithmetic3A_283 : i32 to vector<16xi32>
        %shift_right_arithmetic3A_285 = arith.shrsi %get3A_263, %shift_right_arithmetic3A_284 : vector<16xi32>
        %and3A_286 = arith.constant 31 : i32
        %and3A_287 = vector.broadcast %and3A_286 : i32 to vector<16xi32>
        %and3A_288 = arith.andi %shift_right_arithmetic3A_285, %and3A_287 : vector<16xi32>
        %sub3A_289 = arith.constant 31 : i32
        %sub3A_290 = vector.broadcast %sub3A_289 : i32 to vector<16xi32>
        %sub3A_291 = arith.subi %sub3A_290, %and3A_288 : vector<16xi32>
        %broadcast_in_dim3A_292 = arith.constant true
        %broadcast_in_dim3A_293 = vector.broadcast %broadcast_in_dim3A_292 : i1 to vector<16xi1>
        %unique3A_294, %unique3A_295 = tpu.scan_count mask(%broadcast_in_dim3A_293 : vector<16xi1>) value(%sub3A_291 : vector<16xi32>) : vector<16xi1>, vector<16xi32>
        tpu.vector_store_idx %arg13[%sub3A_291], %unique3A_295 masked %unique3A_294 {add = true} : memref<32xi32, #tpu.memory_space<vmem>>[vector<16xi32>], vector<16xi32>, vector<16xi1>
        %while3A_296 = arith.constant 0 : i32
        scf.yield %while3A_296 : i32
      }
      %while3A_140 = arith.constant 1 : i32
      %while3A_141 = scf.for %while3A_258 = %while3A_137 to %while3A_133 step %while3A_140 iter_args(%while3A_259 = %while3A_139) -> (i32)  : i32 {
        %mul3A_260 = arith.constant 16 : i32
        %mul3A_261 = arith.muli %while3A_258, %mul3A_260 : i32
        %get3A_262 = arith.index_cast %mul3A_261 : i32 to index
        %get3A_263 = tpu.vector_load %arg8[%get3A_262] {strides = array<i32>} : memref<8208xi32, #tpu.memory_space<vmem>>, vector<16xi32>,
        %mul3A_264 = arith.constant 16 : i32
        %mul3A_265 = arith.muli %while3A_258, %mul3A_264 : i32
        %get3A_266 = arith.index_cast %mul3A_265 : i32 to index
        %get3A_267 = tpu.vector_load %arg9[%get3A_266] {strides = array<i32>} : memref<8208xi32, #tpu.memory_space<vmem>>, vector<16xi32>,
        %shift_right_arithmetic3A = arith.constant 10 : i32
        %shift_right_arithmetic3A_268 = vector.broadcast %shift_right_arithmetic3A : i32 to vector<16xi32>
        %shift_right_arithmetic3A_269 = arith.shrsi %get3A_263, %shift_right_arithmetic3A_268 : vector<16xi32>
        %and3A = arith.constant 31 : i32
        %and3A_270 = vector.broadcast %and3A : i32 to vector<16xi32>
        %and3A_271 = arith.andi %shift_right_arithmetic3A_269, %and3A_270 : vector<16xi32>
        %sub3A_272 = arith.constant 31 : i32
        %sub3A_273 = vector.broadcast %sub3A_272 : i32 to vector<16xi32>
        %sub3A_274 = arith.subi %sub3A_273, %and3A_271 : vector<16xi32>
        %broadcast_in_dim3A_275 = arith.constant true
        %broadcast_in_dim3A_276 = vector.broadcast %broadcast_in_dim3A_275 : i1 to vector<16xi1>
        %unique3A, %unique3A_277 = tpu.scan_count mask(%broadcast_in_dim3A_276 : vector<16xi1>) value(%sub3A_274 : vector<16xi32>) : vector<16xi1>, vector<16xi32>
        %gather3A_278 = tpu.vector_load_idx %arg14[%sub3A_274] : memref<32xi32, #tpu.memory_space<vmem>>[vector<16xi32>], vector<16xi32>,
        %add3A_279 = arith.addi %gather3A_278, %unique3A_277 : vector<16xi32>
        %sub3A_280 = arith.constant 1 : i32
        %sub3A_281 = vector.broadcast %sub3A_280 : i32 to vector<16xi32>
        %sub3A_282 = arith.subi %add3A_279, %sub3A_281 : vector<16xi32>
        tpu.vector_store_idx %arg10[%sub3A_282], %get3A_263 : memref<8208xi32, #tpu.memory_space<vmem>>[vector<16xi32>], vector<16xi32>,
        tpu.vector_store_idx %arg11[%sub3A_282], %get3A_267 : memref<8208xi32, #tpu.memory_space<vmem>>[vector<16xi32>], vector<16xi32>,
        tpu.vector_store_idx %arg14[%sub3A_274], %unique3A_277 masked %unique3A {add = true} : memref<32xi32, #tpu.memory_space<vmem>>[vector<16xi32>], vector<16xi32>, vector<16xi1>
        %shift_right_arithmetic3A_283 = arith.constant 15 : i32
        %shift_right_arithmetic3A_284 = vector.broadcast %shift_right_arithmetic3A_283 : i32 to vector<16xi32>
        %shift_right_arithmetic3A_285 = arith.shrsi %get3A_263, %shift_right_arithmetic3A_284 : vector<16xi32>
        %and3A_286 = arith.constant 31 : i32
        %and3A_287 = vector.broadcast %and3A_286 : i32 to vector<16xi32>
        %and3A_288 = arith.andi %shift_right_arithmetic3A_285, %and3A_287 : vector<16xi32>
        %sub3A_289 = arith.constant 31 : i32
        %sub3A_290 = vector.broadcast %sub3A_289 : i32 to vector<16xi32>
        %sub3A_291 = arith.subi %sub3A_290, %and3A_288 : vector<16xi32>
        %broadcast_in_dim3A_292 = arith.constant true
        %broadcast_in_dim3A_293 = vector.broadcast %broadcast_in_dim3A_292 : i1 to vector<16xi1>
        %unique3A_294, %unique3A_295 = tpu.scan_count mask(%broadcast_in_dim3A_293 : vector<16xi1>) value(%sub3A_291 : vector<16xi32>) : vector<16xi1>, vector<16xi32>
        tpu.vector_store_idx %arg13[%sub3A_291], %unique3A_295 masked %unique3A_294 {add = true} : memref<32xi32, #tpu.memory_space<vmem>>[vector<16xi32>], vector<16xi32>, vector<16xi1>
        %while3A_296 = arith.constant 0 : i32
        scf.yield %while3A_296 : i32
      }
      %broadcast_in_dim3A_142 = arith.constant 0 : i32
      %broadcast_in_dim3A_143 = vector.broadcast %broadcast_in_dim3A_142 : i32 to vector<16xi32>
      %get3A_144 = arith.constant 0 : index
      %get3A_145 = tpu.vector_load %arg13[%get3A_144] {strides = array<i32>} : memref<32xi32, #tpu.memory_space<vmem>>, vector<16xi32>,
      %get3A_146 = arith.constant 16 : index
      %get3A_147 = tpu.vector_load %arg13[%get3A_146] {strides = array<i32>} : memref<32xi32, #tpu.memory_space<vmem>>, vector<16xi32>,
      %broadcast_in_dim3A_148 = arith.constant true
      %broadcast_in_dim3A_149 = vector.broadcast %broadcast_in_dim3A_148 : i1 to vector<16xi1>
      %masked_cumsum3A_150 = tpu.scan <sum>, %get3A_145 masked %broadcast_in_dim3A_149 : vector<16xi32>, vector<16xi1> -> vector<16xi32>
      %broadcast_in_dim3A_151 = arith.constant true
      %broadcast_in_dim3A_152 = vector.broadcast %broadcast_in_dim3A_151 : i1 to vector<16xi1>
      %masked_cumsum3A_153 = tpu.scan <sum>, %get3A_147 masked %broadcast_in_dim3A_152 : vector<16xi32>, vector<16xi1> -> vector<16xi32>
      %swap3A_154 = arith.constant 0 : index
      %swap3A_155 = tpu.vector_load %arg13[%swap3A_154] {strides = array<i32>} : memref<32xi32, #tpu.memory_space<vmem>>, vector<16xi32>,
      tpu.vector_store %arg13[%swap3A_154], %masked_cumsum3A_150 {strides = array<i32>} : memref<32xi32, #tpu.memory_space<vmem>>, vector<16xi32>,
      %broadcast_in_dim3A_156 = arith.constant 15 : i32
      %broadcast_in_dim3A_157 = vector.broadcast %broadcast_in_dim3A_156 : i32 to vector<16xi32>
      %gather3A_158 = tpu.vector_load_idx %arg13[%broadcast_in_dim3A_157] : memref<32xi32, #tpu.memory_space<vmem>>[vector<16xi32>], vector<16xi32>,
      %sub3A_159 = arith.subi %masked_cumsum3A_150, %get3A_145 : vector<16xi32>
      %swap3A_160 = arith.constant 0 : index
      %swap3A_161 = tpu.vector_load %arg14[%swap3A_160] {strides = array<i32>} : memref<32xi32, #tpu.memory_space<vmem>>, vector<16xi32>,
      tpu.vector_store %arg14[%swap3A_160], %sub3A_159 {strides = array<i32>} : memref<32xi32, #tpu.memory_space<vmem>>, vector<16xi32>,
      %sub3A_162 = arith.subi %masked_cumsum3A_153, %get3A_147 : vector<16xi32>
      %add3A_163 = arith.addi %sub3A_162, %gather3A_158 : vector<16xi32>
      %swap3A_164 = arith.constant 16 : index
      %swap3A_165 = tpu.vector_load %arg14[%swap3A_164] {strides = array<i32>} : memref<32xi32, #tpu.memory_space<vmem>>, vector<16xi32>,
      tpu.vector_store %arg14[%swap3A_164], %add3A_163 {strides = array<i32>} : memref<32xi32, #tpu.memory_space<vmem>>, vector<16xi32>,
      %swap3A_166 = arith.constant 0 : index
      %swap3A_167 = tpu.vector_load %arg12[%swap3A_166] {strides = array<i32>} : memref<32xi32, #tpu.memory_space<vmem>>, vector<16xi32>,
      tpu.vector_store %arg12[%swap3A_166], %broadcast_in_dim3A_143 {strides = array<i32>} : memref<32xi32, #tpu.memory_space<vmem>>, vector<16xi32>,
      %swap3A_168 = arith.constant 16 : index
      %swap3A_169 = tpu.vector_load %arg12[%swap3A_168] {strides = array<i32>} : memref<32xi32, #tpu.memory_space<vmem>>, vector<16xi32>,
      tpu.vector_store %arg12[%swap3A_168], %broadcast_in_dim3A_143 {strides = array<i32>} : memref<32xi32, #tpu.memory_space<vmem>>, vector<16xi32>,
      %while3A_170 = arith.constant 0 : i32
      %while3A_171 = arith.constant 0 : i32
      %while3A_172 = arith.subi %min3A_17, %while3A_170 : i32
      %while3A_173 = arith.addi %while3A_170, %while3A_172 : i32
      %while3A_174 = arith.constant 1 : i32
      %while3A_175 = arith.divsi %while3A_172, %while3A_174 : i32
      %while3A_176 = arith.muli %while3A_175, %while3A_174 : i32
      %while3A_177 = arith.addi %while3A_170, %while3A_176 : i32
      %while3A_178 = arith.constant 1 : i32
      %while3A_179 = scf.for %while3A_258 = %while3A_170 to %while3A_177 step %while3A_178 iter_args(%while3A_259 = %while3A_171) -> (i32)  : i32 {
        %mul3A_260 = arith.constant 16 : i32
        %mul3A_261 = arith.muli %while3A_258, %mul3A_260 : i32
        %get3A_262 = arith.index_cast %mul3A_261 : i32 to index
        %get3A_263 = tpu.vector_load %arg10[%get3A_262] {strides = array<i32>} : memref<8208xi32, #tpu.memory_space<vmem>>, vector<16xi32>,
        %mul3A_264 = arith.constant 16 : i32
        %mul3A_265 = arith.muli %while3A_258, %mul3A_264 : i32
        %get3A_266 = arith.index_cast %mul3A_265 : i32 to index
        %get3A_267 = tpu.vector_load %arg11[%get3A_266] {strides = array<i32>} : memref<8208xi32, #tpu.memory_space<vmem>>, vector<16xi32>,
        %shift_right_arithmetic3A = arith.constant 15 : i32
        %shift_right_arithmetic3A_268 = vector.broadcast %shift_right_arithmetic3A : i32 to vector<16xi32>
        %shift_right_arithmetic3A_269 = arith.shrsi %get3A_263, %shift_right_arithmetic3A_268 : vector<16xi32>
        %and3A = arith.constant 31 : i32
        %and3A_270 = vector.broadcast %and3A : i32 to vector<16xi32>
        %and3A_271 = arith.andi %shift_right_arithmetic3A_269, %and3A_270 : vector<16xi32>
        %sub3A_272 = arith.constant 31 : i32
        %sub3A_273 = vector.broadcast %sub3A_272 : i32 to vector<16xi32>
        %sub3A_274 = arith.subi %sub3A_273, %and3A_271 : vector<16xi32>
        %broadcast_in_dim3A_275 = arith.constant true
        %broadcast_in_dim3A_276 = vector.broadcast %broadcast_in_dim3A_275 : i1 to vector<16xi1>
        %unique3A, %unique3A_277 = tpu.scan_count mask(%broadcast_in_dim3A_276 : vector<16xi1>) value(%sub3A_274 : vector<16xi32>) : vector<16xi1>, vector<16xi32>
        %gather3A_278 = tpu.vector_load_idx %arg14[%sub3A_274] : memref<32xi32, #tpu.memory_space<vmem>>[vector<16xi32>], vector<16xi32>,
        %add3A_279 = arith.addi %gather3A_278, %unique3A_277 : vector<16xi32>
        %sub3A_280 = arith.constant 1 : i32
        %sub3A_281 = vector.broadcast %sub3A_280 : i32 to vector<16xi32>
        %sub3A_282 = arith.subi %add3A_279, %sub3A_281 : vector<16xi32>
        tpu.vector_store_idx %arg8[%sub3A_282], %get3A_263 : memref<8208xi32, #tpu.memory_space<vmem>>[vector<16xi32>], vector<16xi32>,
        tpu.vector_store_idx %arg9[%sub3A_282], %get3A_267 : memref<8208xi32, #tpu.memory_space<vmem>>[vector<16xi32>], vector<16xi32>,
        tpu.vector_store_idx %arg14[%sub3A_274], %unique3A_277 masked %unique3A {add = true} : memref<32xi32, #tpu.memory_space<vmem>>[vector<16xi32>], vector<16xi32>, vector<16xi1>
        %shift_right_arithmetic3A_283 = arith.constant 20 : i32
        %shift_right_arithmetic3A_284 = vector.broadcast %shift_right_arithmetic3A_283 : i32 to vector<16xi32>
        %shift_right_arithmetic3A_285 = arith.shrsi %get3A_263, %shift_right_arithmetic3A_284 : vector<16xi32>
        %and3A_286 = arith.constant 31 : i32
        %and3A_287 = vector.broadcast %and3A_286 : i32 to vector<16xi32>
        %and3A_288 = arith.andi %shift_right_arithmetic3A_285, %and3A_287 : vector<16xi32>
        %sub3A_289 = arith.constant 31 : i32
        %sub3A_290 = vector.broadcast %sub3A_289 : i32 to vector<16xi32>
        %sub3A_291 = arith.subi %sub3A_290, %and3A_288 : vector<16xi32>
        %broadcast_in_dim3A_292 = arith.constant true
        %broadcast_in_dim3A_293 = vector.broadcast %broadcast_in_dim3A_292 : i1 to vector<16xi1>
        %unique3A_294, %unique3A_295 = tpu.scan_count mask(%broadcast_in_dim3A_293 : vector<16xi1>) value(%sub3A_291 : vector<16xi32>) : vector<16xi1>, vector<16xi32>
        tpu.vector_store_idx %arg12[%sub3A_291], %unique3A_295 masked %unique3A_294 {add = true} : memref<32xi32, #tpu.memory_space<vmem>>[vector<16xi32>], vector<16xi32>, vector<16xi1>
        %while3A_296 = arith.constant 0 : i32
        scf.yield %while3A_296 : i32
      }
      %while3A_180 = arith.constant 1 : i32
      %while3A_181 = scf.for %while3A_258 = %while3A_177 to %while3A_173 step %while3A_180 iter_args(%while3A_259 = %while3A_179) -> (i32)  : i32 {
        %mul3A_260 = arith.constant 16 : i32
        %mul3A_261 = arith.muli %while3A_258, %mul3A_260 : i32
        %get3A_262 = arith.index_cast %mul3A_261 : i32 to index
        %get3A_263 = tpu.vector_load %arg10[%get3A_262] {strides = array<i32>} : memref<8208xi32, #tpu.memory_space<vmem>>, vector<16xi32>,
        %mul3A_264 = arith.constant 16 : i32
        %mul3A_265 = arith.muli %while3A_258, %mul3A_264 : i32
        %get3A_266 = arith.index_cast %mul3A_265 : i32 to index
        %get3A_267 = tpu.vector_load %arg11[%get3A_266] {strides = array<i32>} : memref<8208xi32, #tpu.memory_space<vmem>>, vector<16xi32>,
        %shift_right_arithmetic3A = arith.constant 15 : i32
        %shift_right_arithmetic3A_268 = vector.broadcast %shift_right_arithmetic3A : i32 to vector<16xi32>
        %shift_right_arithmetic3A_269 = arith.shrsi %get3A_263, %shift_right_arithmetic3A_268 : vector<16xi32>
        %and3A = arith.constant 31 : i32
        %and3A_270 = vector.broadcast %and3A : i32 to vector<16xi32>
        %and3A_271 = arith.andi %shift_right_arithmetic3A_269, %and3A_270 : vector<16xi32>
        %sub3A_272 = arith.constant 31 : i32
        %sub3A_273 = vector.broadcast %sub3A_272 : i32 to vector<16xi32>
        %sub3A_274 = arith.subi %sub3A_273, %and3A_271 : vector<16xi32>
        %broadcast_in_dim3A_275 = arith.constant true
        %broadcast_in_dim3A_276 = vector.broadcast %broadcast_in_dim3A_275 : i1 to vector<16xi1>
        %unique3A, %unique3A_277 = tpu.scan_count mask(%broadcast_in_dim3A_276 : vector<16xi1>) value(%sub3A_274 : vector<16xi32>) : vector<16xi1>, vector<16xi32>
        %gather3A_278 = tpu.vector_load_idx %arg14[%sub3A_274] : memref<32xi32, #tpu.memory_space<vmem>>[vector<16xi32>], vector<16xi32>,
        %add3A_279 = arith.addi %gather3A_278, %unique3A_277 : vector<16xi32>
        %sub3A_280 = arith.constant 1 : i32
        %sub3A_281 = vector.broadcast %sub3A_280 : i32 to vector<16xi32>
        %sub3A_282 = arith.subi %add3A_279, %sub3A_281 : vector<16xi32>
        tpu.vector_store_idx %arg8[%sub3A_282], %get3A_263 : memref<8208xi32, #tpu.memory_space<vmem>>[vector<16xi32>], vector<16xi32>,
        tpu.vector_store_idx %arg9[%sub3A_282], %get3A_267 : memref<8208xi32, #tpu.memory_space<vmem>>[vector<16xi32>], vector<16xi32>,
        tpu.vector_store_idx %arg14[%sub3A_274], %unique3A_277 masked %unique3A {add = true} : memref<32xi32, #tpu.memory_space<vmem>>[vector<16xi32>], vector<16xi32>, vector<16xi1>
        %shift_right_arithmetic3A_283 = arith.constant 20 : i32
        %shift_right_arithmetic3A_284 = vector.broadcast %shift_right_arithmetic3A_283 : i32 to vector<16xi32>
        %shift_right_arithmetic3A_285 = arith.shrsi %get3A_263, %shift_right_arithmetic3A_284 : vector<16xi32>
        %and3A_286 = arith.constant 31 : i32
        %and3A_287 = vector.broadcast %and3A_286 : i32 to vector<16xi32>
        %and3A_288 = arith.andi %shift_right_arithmetic3A_285, %and3A_287 : vector<16xi32>
        %sub3A_289 = arith.constant 31 : i32
        %sub3A_290 = vector.broadcast %sub3A_289 : i32 to vector<16xi32>
        %sub3A_291 = arith.subi %sub3A_290, %and3A_288 : vector<16xi32>
        %broadcast_in_dim3A_292 = arith.constant true
        %broadcast_in_dim3A_293 = vector.broadcast %broadcast_in_dim3A_292 : i1 to vector<16xi1>
        %unique3A_294, %unique3A_295 = tpu.scan_count mask(%broadcast_in_dim3A_293 : vector<16xi1>) value(%sub3A_291 : vector<16xi32>) : vector<16xi1>, vector<16xi32>
        tpu.vector_store_idx %arg12[%sub3A_291], %unique3A_295 masked %unique3A_294 {add = true} : memref<32xi32, #tpu.memory_space<vmem>>[vector<16xi32>], vector<16xi32>, vector<16xi1>
        %while3A_296 = arith.constant 0 : i32
        scf.yield %while3A_296 : i32
      }
      %broadcast_in_dim3A_182 = arith.constant 0 : i32
      %broadcast_in_dim3A_183 = vector.broadcast %broadcast_in_dim3A_182 : i32 to vector<16xi32>
      %get3A_184 = arith.constant 0 : index
      %get3A_185 = tpu.vector_load %arg12[%get3A_184] {strides = array<i32>} : memref<32xi32, #tpu.memory_space<vmem>>, vector<16xi32>,
      %get3A_186 = arith.constant 16 : index
      %get3A_187 = tpu.vector_load %arg12[%get3A_186] {strides = array<i32>} : memref<32xi32, #tpu.memory_space<vmem>>, vector<16xi32>,
      %broadcast_in_dim3A_188 = arith.constant true
      %broadcast_in_dim3A_189 = vector.broadcast %broadcast_in_dim3A_188 : i1 to vector<16xi1>
      %masked_cumsum3A_190 = tpu.scan <sum>, %get3A_185 masked %broadcast_in_dim3A_189 : vector<16xi32>, vector<16xi1> -> vector<16xi32>
      %broadcast_in_dim3A_191 = arith.constant true
      %broadcast_in_dim3A_192 = vector.broadcast %broadcast_in_dim3A_191 : i1 to vector<16xi1>
      %masked_cumsum3A_193 = tpu.scan <sum>, %get3A_187 masked %broadcast_in_dim3A_192 : vector<16xi32>, vector<16xi1> -> vector<16xi32>
      %swap3A_194 = arith.constant 0 : index
      %swap3A_195 = tpu.vector_load %arg12[%swap3A_194] {strides = array<i32>} : memref<32xi32, #tpu.memory_space<vmem>>, vector<16xi32>,
      tpu.vector_store %arg12[%swap3A_194], %masked_cumsum3A_190 {strides = array<i32>} : memref<32xi32, #tpu.memory_space<vmem>>, vector<16xi32>,
      %broadcast_in_dim3A_196 = arith.constant 15 : i32
      %broadcast_in_dim3A_197 = vector.broadcast %broadcast_in_dim3A_196 : i32 to vector<16xi32>
      %gather3A_198 = tpu.vector_load_idx %arg12[%broadcast_in_dim3A_197] : memref<32xi32, #tpu.memory_space<vmem>>[vector<16xi32>], vector<16xi32>,
      %sub3A_199 = arith.subi %masked_cumsum3A_190, %get3A_185 : vector<16xi32>
      %swap3A_200 = arith.constant 0 : index
      %swap3A_201 = tpu.vector_load %arg14[%swap3A_200] {strides = array<i32>} : memref<32xi32, #tpu.memory_space<vmem>>, vector<16xi32>,
      tpu.vector_store %arg14[%swap3A_200], %sub3A_199 {strides = array<i32>} : memref<32xi32, #tpu.memory_space<vmem>>, vector<16xi32>,
      %sub3A_202 = arith.subi %masked_cumsum3A_193, %get3A_187 : vector<16xi32>
      %add3A_203 = arith.addi %sub3A_202, %gather3A_198 : vector<16xi32>
      %swap3A_204 = arith.constant 16 : index
      %swap3A_205 = tpu.vector_load %arg14[%swap3A_204] {strides = array<i32>} : memref<32xi32, #tpu.memory_space<vmem>>, vector<16xi32>,
      tpu.vector_store %arg14[%swap3A_204], %add3A_203 {strides = array<i32>} : memref<32xi32, #tpu.memory_space<vmem>>, vector<16xi32>,
      %swap3A_206 = arith.constant 0 : index
      %swap3A_207 = tpu.vector_load %arg13[%swap3A_206] {strides = array<i32>} : memref<32xi32, #tpu.memory_space<vmem>>, vector<16xi32>,
      tpu.vector_store %arg13[%swap3A_206], %broadcast_in_dim3A_183 {strides = array<i32>} : memref<32xi32, #tpu.memory_space<vmem>>, vector<16xi32>,
      %swap3A_208 = arith.constant 16 : index
      %swap3A_209 = tpu.vector_load %arg13[%swap3A_208] {strides = array<i32>} : memref<32xi32, #tpu.memory_space<vmem>>, vector<16xi32>,
      tpu.vector_store %arg13[%swap3A_208], %broadcast_in_dim3A_183 {strides = array<i32>} : memref<32xi32, #tpu.memory_space<vmem>>, vector<16xi32>,
      %while3A_210 = arith.constant 0 : i32
      %while3A_211 = arith.constant 0 : i32
      %while3A_212 = arith.subi %min3A_17, %while3A_210 : i32
      %while3A_213 = arith.addi %while3A_210, %while3A_212 : i32
      %while3A_214 = arith.constant 1 : i32
      %while3A_215 = arith.divsi %while3A_212, %while3A_214 : i32
      %while3A_216 = arith.muli %while3A_215, %while3A_214 : i32
      %while3A_217 = arith.addi %while3A_210, %while3A_216 : i32
      %while3A_218 = arith.constant 1 : i32
      %while3A_219 = scf.for %while3A_258 = %while3A_210 to %while3A_217 step %while3A_218 iter_args(%while3A_259 = %while3A_211) -> (i32)  : i32 {
        %mul3A_260 = arith.constant 16 : i32
        %mul3A_261 = arith.muli %while3A_258, %mul3A_260 : i32
        %get3A_262 = arith.index_cast %mul3A_261 : i32 to index
        %get3A_263 = tpu.vector_load %arg8[%get3A_262] {strides = array<i32>} : memref<8208xi32, #tpu.memory_space<vmem>>, vector<16xi32>,
        %mul3A_264 = arith.constant 16 : i32
        %mul3A_265 = arith.muli %while3A_258, %mul3A_264 : i32
        %get3A_266 = arith.index_cast %mul3A_265 : i32 to index
        %get3A_267 = tpu.vector_load %arg9[%get3A_266] {strides = array<i32>} : memref<8208xi32, #tpu.memory_space<vmem>>, vector<16xi32>,
        %shift_right_arithmetic3A = arith.constant 20 : i32
        %shift_right_arithmetic3A_268 = vector.broadcast %shift_right_arithmetic3A : i32 to vector<16xi32>
        %shift_right_arithmetic3A_269 = arith.shrsi %get3A_263, %shift_right_arithmetic3A_268 : vector<16xi32>
        %and3A = arith.constant 31 : i32
        %and3A_270 = vector.broadcast %and3A : i32 to vector<16xi32>
        %and3A_271 = arith.andi %shift_right_arithmetic3A_269, %and3A_270 : vector<16xi32>
        %sub3A_272 = arith.constant 31 : i32
        %sub3A_273 = vector.broadcast %sub3A_272 : i32 to vector<16xi32>
        %sub3A_274 = arith.subi %sub3A_273, %and3A_271 : vector<16xi32>
        %broadcast_in_dim3A_275 = arith.constant true
        %broadcast_in_dim3A_276 = vector.broadcast %broadcast_in_dim3A_275 : i1 to vector<16xi1>
        %unique3A, %unique3A_277 = tpu.scan_count mask(%broadcast_in_dim3A_276 : vector<16xi1>) value(%sub3A_274 : vector<16xi32>) : vector<16xi1>, vector<16xi32>
        %gather3A_278 = tpu.vector_load_idx %arg14[%sub3A_274] : memref<32xi32, #tpu.memory_space<vmem>>[vector<16xi32>], vector<16xi32>,
        %add3A_279 = arith.addi %gather3A_278, %unique3A_277 : vector<16xi32>
        %sub3A_280 = arith.constant 1 : i32
        %sub3A_281 = vector.broadcast %sub3A_280 : i32 to vector<16xi32>
        %sub3A_282 = arith.subi %add3A_279, %sub3A_281 : vector<16xi32>
        tpu.vector_store_idx %arg10[%sub3A_282], %get3A_263 : memref<8208xi32, #tpu.memory_space<vmem>>[vector<16xi32>], vector<16xi32>,
        tpu.vector_store_idx %arg11[%sub3A_282], %get3A_267 : memref<8208xi32, #tpu.memory_space<vmem>>[vector<16xi32>], vector<16xi32>,
        tpu.vector_store_idx %arg14[%sub3A_274], %unique3A_277 masked %unique3A {add = true} : memref<32xi32, #tpu.memory_space<vmem>>[vector<16xi32>], vector<16xi32>, vector<16xi1>
        %shift_right_arithmetic3A_283 = arith.constant 25 : i32
        %shift_right_arithmetic3A_284 = vector.broadcast %shift_right_arithmetic3A_283 : i32 to vector<16xi32>
        %shift_right_arithmetic3A_285 = arith.shrsi %get3A_263, %shift_right_arithmetic3A_284 : vector<16xi32>
        %and3A_286 = arith.constant 31 : i32
        %and3A_287 = vector.broadcast %and3A_286 : i32 to vector<16xi32>
        %and3A_288 = arith.andi %shift_right_arithmetic3A_285, %and3A_287 : vector<16xi32>
        %sub3A_289 = arith.constant 31 : i32
        %sub3A_290 = vector.broadcast %sub3A_289 : i32 to vector<16xi32>
        %sub3A_291 = arith.subi %sub3A_290, %and3A_288 : vector<16xi32>
        %broadcast_in_dim3A_292 = arith.constant true
        %broadcast_in_dim3A_293 = vector.broadcast %broadcast_in_dim3A_292 : i1 to vector<16xi1>
        %unique3A_294, %unique3A_295 = tpu.scan_count mask(%broadcast_in_dim3A_293 : vector<16xi1>) value(%sub3A_291 : vector<16xi32>) : vector<16xi1>, vector<16xi32>
        tpu.vector_store_idx %arg13[%sub3A_291], %unique3A_295 masked %unique3A_294 {add = true} : memref<32xi32, #tpu.memory_space<vmem>>[vector<16xi32>], vector<16xi32>, vector<16xi1>
        %while3A_296 = arith.constant 0 : i32
        scf.yield %while3A_296 : i32
      }
      %while3A_220 = arith.constant 1 : i32
      %while3A_221 = scf.for %while3A_258 = %while3A_217 to %while3A_213 step %while3A_220 iter_args(%while3A_259 = %while3A_219) -> (i32)  : i32 {
        %mul3A_260 = arith.constant 16 : i32
        %mul3A_261 = arith.muli %while3A_258, %mul3A_260 : i32
        %get3A_262 = arith.index_cast %mul3A_261 : i32 to index
        %get3A_263 = tpu.vector_load %arg8[%get3A_262] {strides = array<i32>} : memref<8208xi32, #tpu.memory_space<vmem>>, vector<16xi32>,
        %mul3A_264 = arith.constant 16 : i32
        %mul3A_265 = arith.muli %while3A_258, %mul3A_264 : i32
        %get3A_266 = arith.index_cast %mul3A_265 : i32 to index
        %get3A_267 = tpu.vector_load %arg9[%get3A_266] {strides = array<i32>} : memref<8208xi32, #tpu.memory_space<vmem>>, vector<16xi32>,
        %shift_right_arithmetic3A = arith.constant 20 : i32
        %shift_right_arithmetic3A_268 = vector.broadcast %shift_right_arithmetic3A : i32 to vector<16xi32>
        %shift_right_arithmetic3A_269 = arith.shrsi %get3A_263, %shift_right_arithmetic3A_268 : vector<16xi32>
        %and3A = arith.constant 31 : i32
        %and3A_270 = vector.broadcast %and3A : i32 to vector<16xi32>
        %and3A_271 = arith.andi %shift_right_arithmetic3A_269, %and3A_270 : vector<16xi32>
        %sub3A_272 = arith.constant 31 : i32
        %sub3A_273 = vector.broadcast %sub3A_272 : i32 to vector<16xi32>
        %sub3A_274 = arith.subi %sub3A_273, %and3A_271 : vector<16xi32>
        %broadcast_in_dim3A_275 = arith.constant true
        %broadcast_in_dim3A_276 = vector.broadcast %broadcast_in_dim3A_275 : i1 to vector<16xi1>
        %unique3A, %unique3A_277 = tpu.scan_count mask(%broadcast_in_dim3A_276 : vector<16xi1>) value(%sub3A_274 : vector<16xi32>) : vector<16xi1>, vector<16xi32>
        %gather3A_278 = tpu.vector_load_idx %arg14[%sub3A_274] : memref<32xi32, #tpu.memory_space<vmem>>[vector<16xi32>], vector<16xi32>,
        %add3A_279 = arith.addi %gather3A_278, %unique3A_277 : vector<16xi32>
        %sub3A_280 = arith.constant 1 : i32
        %sub3A_281 = vector.broadcast %sub3A_280 : i32 to vector<16xi32>
        %sub3A_282 = arith.subi %add3A_279, %sub3A_281 : vector<16xi32>
        tpu.vector_store_idx %arg10[%sub3A_282], %get3A_263 : memref<8208xi32, #tpu.memory_space<vmem>>[vector<16xi32>], vector<16xi32>,
        tpu.vector_store_idx %arg11[%sub3A_282], %get3A_267 : memref<8208xi32, #tpu.memory_space<vmem>>[vector<16xi32>], vector<16xi32>,
        tpu.vector_store_idx %arg14[%sub3A_274], %unique3A_277 masked %unique3A {add = true} : memref<32xi32, #tpu.memory_space<vmem>>[vector<16xi32>], vector<16xi32>, vector<16xi1>
        %shift_right_arithmetic3A_283 = arith.constant 25 : i32
        %shift_right_arithmetic3A_284 = vector.broadcast %shift_right_arithmetic3A_283 : i32 to vector<16xi32>
        %shift_right_arithmetic3A_285 = arith.shrsi %get3A_263, %shift_right_arithmetic3A_284 : vector<16xi32>
        %and3A_286 = arith.constant 31 : i32
        %and3A_287 = vector.broadcast %and3A_286 : i32 to vector<16xi32>
        %and3A_288 = arith.andi %shift_right_arithmetic3A_285, %and3A_287 : vector<16xi32>
        %sub3A_289 = arith.constant 31 : i32
        %sub3A_290 = vector.broadcast %sub3A_289 : i32 to vector<16xi32>
        %sub3A_291 = arith.subi %sub3A_290, %and3A_288 : vector<16xi32>
        %broadcast_in_dim3A_292 = arith.constant true
        %broadcast_in_dim3A_293 = vector.broadcast %broadcast_in_dim3A_292 : i1 to vector<16xi1>
        %unique3A_294, %unique3A_295 = tpu.scan_count mask(%broadcast_in_dim3A_293 : vector<16xi1>) value(%sub3A_291 : vector<16xi32>) : vector<16xi1>, vector<16xi32>
        tpu.vector_store_idx %arg13[%sub3A_291], %unique3A_295 masked %unique3A_294 {add = true} : memref<32xi32, #tpu.memory_space<vmem>>[vector<16xi32>], vector<16xi32>, vector<16xi1>
        %while3A_296 = arith.constant 0 : i32
        scf.yield %while3A_296 : i32
      }
      %broadcast_in_dim3A_222 = arith.constant 0 : i32
      %broadcast_in_dim3A_223 = vector.broadcast %broadcast_in_dim3A_222 : i32 to vector<16xi32>
      %get3A_224 = arith.constant 0 : index
      %get3A_225 = tpu.vector_load %arg13[%get3A_224] {strides = array<i32>} : memref<32xi32, #tpu.memory_space<vmem>>, vector<16xi32>,
      %get3A_226 = arith.constant 16 : index
      %get3A_227 = tpu.vector_load %arg13[%get3A_226] {strides = array<i32>} : memref<32xi32, #tpu.memory_space<vmem>>, vector<16xi32>,
      %broadcast_in_dim3A_228 = arith.constant true
      %broadcast_in_dim3A_229 = vector.broadcast %broadcast_in_dim3A_228 : i1 to vector<16xi1>
      %masked_cumsum3A_230 = tpu.scan <sum>, %get3A_225 masked %broadcast_in_dim3A_229 : vector<16xi32>, vector<16xi1> -> vector<16xi32>
      %broadcast_in_dim3A_231 = arith.constant true
      %broadcast_in_dim3A_232 = vector.broadcast %broadcast_in_dim3A_231 : i1 to vector<16xi1>
      %masked_cumsum3A_233 = tpu.scan <sum>, %get3A_227 masked %broadcast_in_dim3A_232 : vector<16xi32>, vector<16xi1> -> vector<16xi32>
      %swap3A_234 = arith.constant 0 : index
      %swap3A_235 = tpu.vector_load %arg13[%swap3A_234] {strides = array<i32>} : memref<32xi32, #tpu.memory_space<vmem>>, vector<16xi32>,
      tpu.vector_store %arg13[%swap3A_234], %masked_cumsum3A_230 {strides = array<i32>} : memref<32xi32, #tpu.memory_space<vmem>>, vector<16xi32>,
      %broadcast_in_dim3A_236 = arith.constant 15 : i32
      %broadcast_in_dim3A_237 = vector.broadcast %broadcast_in_dim3A_236 : i32 to vector<16xi32>
      %gather3A_238 = tpu.vector_load_idx %arg13[%broadcast_in_dim3A_237] : memref<32xi32, #tpu.memory_space<vmem>>[vector<16xi32>], vector<16xi32>,
      %sub3A_239 = arith.subi %masked_cumsum3A_230, %get3A_225 : vector<16xi32>
      %swap3A_240 = arith.constant 0 : index
      %swap3A_241 = tpu.vector_load %arg14[%swap3A_240] {strides = array<i32>} : memref<32xi32, #tpu.memory_space<vmem>>, vector<16xi32>,
      tpu.vector_store %arg14[%swap3A_240], %sub3A_239 {strides = array<i32>} : memref<32xi32, #tpu.memory_space<vmem>>, vector<16xi32>,
      %sub3A_242 = arith.subi %masked_cumsum3A_233, %get3A_227 : vector<16xi32>
      %add3A_243 = arith.addi %sub3A_242, %gather3A_238 : vector<16xi32>
      %swap3A_244 = arith.constant 16 : index
      %swap3A_245 = tpu.vector_load %arg14[%swap3A_244] {strides = array<i32>} : memref<32xi32, #tpu.memory_space<vmem>>, vector<16xi32>,
      tpu.vector_store %arg14[%swap3A_244], %add3A_243 {strides = array<i32>} : memref<32xi32, #tpu.memory_space<vmem>>, vector<16xi32>,
      %while3A_246 = arith.constant 0 : i32
      %while3A_247 = arith.constant 0 : i32
      %while3A_248 = arith.subi %min3A_17, %while3A_246 : i32
      %while3A_249 = arith.addi %while3A_246, %while3A_248 : i32
      %while3A_250 = arith.constant 1 : i32
      %while3A_251 = arith.divsi %while3A_248, %while3A_250 : i32
      %while3A_252 = arith.muli %while3A_251, %while3A_250 : i32
      %while3A_253 = arith.addi %while3A_246, %while3A_252 : i32
      %while3A_254 = arith.constant 1 : i32
      %while3A_255 = scf.for %while3A_258 = %while3A_246 to %while3A_253 step %while3A_254 iter_args(%while3A_259 = %while3A_247) -> (i32)  : i32 {
        %mul3A_260 = arith.constant 16 : i32
        %mul3A_261 = arith.muli %while3A_258, %mul3A_260 : i32
        %get3A_262 = arith.index_cast %mul3A_261 : i32 to index
        %get3A_263 = tpu.vector_load %arg10[%get3A_262] {strides = array<i32>} : memref<8208xi32, #tpu.memory_space<vmem>>, vector<16xi32>,
        %mul3A_264 = arith.constant 16 : i32
        %mul3A_265 = arith.muli %while3A_258, %mul3A_264 : i32
        %get3A_266 = arith.index_cast %mul3A_265 : i32 to index
        %get3A_267 = tpu.vector_load %arg11[%get3A_266] {strides = array<i32>} : memref<8208xi32, #tpu.memory_space<vmem>>, vector<16xi32>,
        %shift_right_arithmetic3A = arith.constant 25 : i32
        %shift_right_arithmetic3A_268 = vector.broadcast %shift_right_arithmetic3A : i32 to vector<16xi32>
        %shift_right_arithmetic3A_269 = arith.shrsi %get3A_263, %shift_right_arithmetic3A_268 : vector<16xi32>
        %and3A = arith.constant 31 : i32
        %and3A_270 = vector.broadcast %and3A : i32 to vector<16xi32>
        %and3A_271 = arith.andi %shift_right_arithmetic3A_269, %and3A_270 : vector<16xi32>
        %sub3A_272 = arith.constant 31 : i32
        %sub3A_273 = vector.broadcast %sub3A_272 : i32 to vector<16xi32>
        %sub3A_274 = arith.subi %sub3A_273, %and3A_271 : vector<16xi32>
        %broadcast_in_dim3A_275 = arith.constant true
        %broadcast_in_dim3A_276 = vector.broadcast %broadcast_in_dim3A_275 : i1 to vector<16xi1>
        %unique3A, %unique3A_277 = tpu.scan_count mask(%broadcast_in_dim3A_276 : vector<16xi1>) value(%sub3A_274 : vector<16xi32>) : vector<16xi1>, vector<16xi32>
        %gather3A_278 = tpu.vector_load_idx %arg14[%sub3A_274] : memref<32xi32, #tpu.memory_space<vmem>>[vector<16xi32>], vector<16xi32>,
        %add3A_279 = arith.addi %gather3A_278, %unique3A_277 : vector<16xi32>
        %sub3A_280 = arith.constant 1 : i32
        %sub3A_281 = vector.broadcast %sub3A_280 : i32 to vector<16xi32>
        %sub3A_282 = arith.subi %add3A_279, %sub3A_281 : vector<16xi32>
        tpu.vector_store_idx %arg8[%sub3A_282], %get3A_263 : memref<8208xi32, #tpu.memory_space<vmem>>[vector<16xi32>], vector<16xi32>,
        tpu.vector_store_idx %arg9[%sub3A_282], %get3A_267 : memref<8208xi32, #tpu.memory_space<vmem>>[vector<16xi32>], vector<16xi32>,
        tpu.vector_store_idx %arg14[%sub3A_274], %unique3A_277 masked %unique3A {add = true} : memref<32xi32, #tpu.memory_space<vmem>>[vector<16xi32>], vector<16xi32>, vector<16xi1>
        %while3A_283 = arith.constant 0 : i32
        scf.yield %while3A_283 : i32
      }
      %while3A_256 = arith.constant 1 : i32
      %while3A_257 = scf.for %while3A_258 = %while3A_253 to %while3A_249 step %while3A_256 iter_args(%while3A_259 = %while3A_255) -> (i32)  : i32 {
        %mul3A_260 = arith.constant 16 : i32
        %mul3A_261 = arith.muli %while3A_258, %mul3A_260 : i32
        %get3A_262 = arith.index_cast %mul3A_261 : i32 to index
        %get3A_263 = tpu.vector_load %arg10[%get3A_262] {strides = array<i32>} : memref<8208xi32, #tpu.memory_space<vmem>>, vector<16xi32>,
        %mul3A_264 = arith.constant 16 : i32
        %mul3A_265 = arith.muli %while3A_258, %mul3A_264 : i32
        %get3A_266 = arith.index_cast %mul3A_265 : i32 to index
        %get3A_267 = tpu.vector_load %arg11[%get3A_266] {strides = array<i32>} : memref<8208xi32, #tpu.memory_space<vmem>>, vector<16xi32>,
        %shift_right_arithmetic3A = arith.constant 25 : i32
        %shift_right_arithmetic3A_268 = vector.broadcast %shift_right_arithmetic3A : i32 to vector<16xi32>
        %shift_right_arithmetic3A_269 = arith.shrsi %get3A_263, %shift_right_arithmetic3A_268 : vector<16xi32>
        %and3A = arith.constant 31 : i32
        %and3A_270 = vector.broadcast %and3A : i32 to vector<16xi32>
        %and3A_271 = arith.andi %shift_right_arithmetic3A_269, %and3A_270 : vector<16xi32>
        %sub3A_272 = arith.constant 31 : i32
        %sub3A_273 = vector.broadcast %sub3A_272 : i32 to vector<16xi32>
        %sub3A_274 = arith.subi %sub3A_273, %and3A_271 : vector<16xi32>
        %broadcast_in_dim3A_275 = arith.constant true
        %broadcast_in_dim3A_276 = vector.broadcast %broadcast_in_dim3A_275 : i1 to vector<16xi1>
        %unique3A, %unique3A_277 = tpu.scan_count mask(%broadcast_in_dim3A_276 : vector<16xi1>) value(%sub3A_274 : vector<16xi32>) : vector<16xi1>, vector<16xi32>
        %gather3A_278 = tpu.vector_load_idx %arg14[%sub3A_274] : memref<32xi32, #tpu.memory_space<vmem>>[vector<16xi32>], vector<16xi32>,
        %add3A_279 = arith.addi %gather3A_278, %unique3A_277 : vector<16xi32>
        %sub3A_280 = arith.constant 1 : i32
        %sub3A_281 = vector.broadcast %sub3A_280 : i32 to vector<16xi32>
        %sub3A_282 = arith.subi %add3A_279, %sub3A_281 : vector<16xi32>
        tpu.vector_store_idx %arg8[%sub3A_282], %get3A_263 : memref<8208xi32, #tpu.memory_space<vmem>>[vector<16xi32>], vector<16xi32>,
        tpu.vector_store_idx %arg9[%sub3A_282], %get3A_267 : memref<8208xi32, #tpu.memory_space<vmem>>[vector<16xi32>], vector<16xi32>,
        tpu.vector_store_idx %arg14[%sub3A_274], %unique3A_277 masked %unique3A {add = true} : memref<32xi32, #tpu.memory_space<vmem>>[vector<16xi32>], vector<16xi32>, vector<16xi1>
        %while3A_283 = arith.constant 0 : i32
        scf.yield %while3A_283 : i32
      }
      "tpu.region"() ({
        %run_scoped3A = tpu.sem_alloc : memref<!tpu.dma_semaphore, #tpu.memory_space<semaphore_mem>>
        %dma_start3A = arith.constant 0 : i32
        %dma_start3A_258 = tpu.memref_slice %arg9[%dma_start3A] : memref<8208xi32, #tpu.memory_space<vmem>> -> memref<1024xi32, #tpu.memory_space<vmem>>
        %dma_start3A_259 = arith.constant 0 : i32
        %dma_start3A_260 = tpu.memref_slice %arg4[%add3A, %dma_start3A_259] : memref<16x1024xi32, #tpu.memory_space<hbm>> -> memref<1x1024xi32, #tpu.memory_space<hbm>>
        %dma_start3A_261 = tpu.memref_squeeze %dma_start3A_260 : memref<1x1024xi32, #tpu.memory_space<hbm>> -> memref<1024xi32, #tpu.memory_space<hbm>>
        %dma_start3A_262 = arith.constant 0 : i32
        %dma_start3A_263 = tpu.memref_slice %arg4[%add3A, %dma_start3A_262] : memref<16x1024xi32, #tpu.memory_space<hbm>> -> memref<1x1024xi32, #tpu.memory_space<hbm>>
        %dma_start3A_264 = tpu.memref_squeeze %dma_start3A_263 : memref<1x1024xi32, #tpu.memory_space<hbm>> -> memref<1024xi32, #tpu.memory_space<hbm>>
        %dma_start3A_265 = arith.constant 0 : i32
        %dma_start3A_266 = tpu.memref_slice %arg9[%dma_start3A_265] : memref<8208xi32, #tpu.memory_space<vmem>> -> memref<1024xi32, #tpu.memory_space<vmem>>
        tpu.enqueue_dma source(%dma_start3A_266 : memref<1024xi32, #tpu.memory_space<vmem>>) target(%dma_start3A_264 : memref<1024xi32, #tpu.memory_space<hbm>>) target_semaphore(%run_scoped3A : memref<!tpu.dma_semaphore, #tpu.memory_space<semaphore_mem>>)
        %dma_wait3A = arith.constant 0 : i32
        %dma_wait3A_267 = tpu.memref_slice %arg9[%dma_wait3A] : memref<8208xi32, #tpu.memory_space<vmem>> -> memref<1024xi32, #tpu.memory_space<vmem>>
        %dma_wait3A_268 = arith.constant 0 : i32
        %dma_wait3A_269 = tpu.memref_slice %arg4[%add3A, %dma_wait3A_268] : memref<16x1024xi32, #tpu.memory_space<hbm>> -> memref<1x1024xi32, #tpu.memory_space<hbm>>
        %dma_wait3A_270 = tpu.memref_squeeze %dma_wait3A_269 : memref<1x1024xi32, #tpu.memory_space<hbm>> -> memref<1024xi32, #tpu.memory_space<hbm>>
        %dma_wait3A_271 = arith.constant 0 : i32
        %dma_wait3A_272 = tpu.memref_slice %arg4[%add3A, %dma_wait3A_271] : memref<16x1024xi32, #tpu.memory_space<hbm>> -> memref<1x1024xi32, #tpu.memory_space<hbm>>
        %dma_wait3A_273 = tpu.memref_squeeze %dma_wait3A_272 : memref<1x1024xi32, #tpu.memory_space<hbm>> -> memref<1024xi32, #tpu.memory_space<hbm>>
        %dma_wait3A_274 = arith.constant 0 : i32
        %dma_wait3A_275 = tpu.memref_slice %arg9[%dma_wait3A_274] : memref<8208xi32, #tpu.memory_space<vmem>> -> memref<1024xi32, #tpu.memory_space<vmem>>
        tpu.wait_dma2 semaphore(%run_scoped3A : memref<!tpu.dma_semaphore, #tpu.memory_space<semaphore_mem>>) src(%dma_wait3A_275 : memref<1024xi32, #tpu.memory_space<vmem>>) dst(%dma_wait3A_273 : memref<1024xi32, #tpu.memory_space<hbm>>)
        tpu.yield
      }) : () -> ()
      "tpu.region"() ({
        %run_scoped3A = tpu.sem_alloc : memref<!tpu.dma_semaphore, #tpu.memory_space<semaphore_mem>>
        %dma_start3A = arith.constant 0 : i32
        %dma_start3A_258 = tpu.memref_slice %arg8[%dma_start3A] : memref<8208xi32, #tpu.memory_space<vmem>> -> memref<1024xi32, #tpu.memory_space<vmem>>
        %dma_start3A_259 = arith.constant 0 : i32
        %dma_start3A_260 = tpu.memref_slice %arg5[%add3A, %dma_start3A_259] : memref<16x1024xi32, #tpu.memory_space<hbm>> -> memref<1x1024xi32, #tpu.memory_space<hbm>>
        %dma_start3A_261 = tpu.memref_squeeze %dma_start3A_260 : memref<1x1024xi32, #tpu.memory_space<hbm>> -> memref<1024xi32, #tpu.memory_space<hbm>>
        %dma_start3A_262 = arith.constant 0 : i32
        %dma_start3A_263 = tpu.memref_slice %arg5[%add3A, %dma_start3A_262] : memref<16x1024xi32, #tpu.memory_space<hbm>> -> memref<1x1024xi32, #tpu.memory_space<hbm>>
        %dma_start3A_264 = tpu.memref_squeeze %dma_start3A_263 : memref<1x1024xi32, #tpu.memory_space<hbm>> -> memref<1024xi32, #tpu.memory_space<hbm>>
        %dma_start3A_265 = arith.constant 0 : i32
        %dma_start3A_266 = tpu.memref_slice %arg8[%dma_start3A_265] : memref<8208xi32, #tpu.memory_space<vmem>> -> memref<1024xi32, #tpu.memory_space<vmem>>
        tpu.enqueue_dma source(%dma_start3A_266 : memref<1024xi32, #tpu.memory_space<vmem>>) target(%dma_start3A_264 : memref<1024xi32, #tpu.memory_space<hbm>>) target_semaphore(%run_scoped3A : memref<!tpu.dma_semaphore, #tpu.memory_space<semaphore_mem>>)
        %dma_wait3A = arith.constant 0 : i32
        %dma_wait3A_267 = tpu.memref_slice %arg8[%dma_wait3A] : memref<8208xi32, #tpu.memory_space<vmem>> -> memref<1024xi32, #tpu.memory_space<vmem>>
        %dma_wait3A_268 = arith.constant 0 : i32
        %dma_wait3A_269 = tpu.memref_slice %arg5[%add3A, %dma_wait3A_268] : memref<16x1024xi32, #tpu.memory_space<hbm>> -> memref<1x1024xi32, #tpu.memory_space<hbm>>
        %dma_wait3A_270 = tpu.memref_squeeze %dma_wait3A_269 : memref<1x1024xi32, #tpu.memory_space<hbm>> -> memref<1024xi32, #tpu.memory_space<hbm>>
        %dma_wait3A_271 = arith.constant 0 : i32
        %dma_wait3A_272 = tpu.memref_slice %arg5[%add3A, %dma_wait3A_271] : memref<16x1024xi32, #tpu.memory_space<hbm>> -> memref<1x1024xi32, #tpu.memory_space<hbm>>
        %dma_wait3A_273 = tpu.memref_squeeze %dma_wait3A_272 : memref<1x1024xi32, #tpu.memory_space<hbm>> -> memref<1024xi32, #tpu.memory_space<hbm>>
        %dma_wait3A_274 = arith.constant 0 : i32
        %dma_wait3A_275 = tpu.memref_slice %arg8[%dma_wait3A_274] : memref<8208xi32, #tpu.memory_space<vmem>> -> memref<1024xi32, #tpu.memory_space<vmem>>
        tpu.wait_dma2 semaphore(%run_scoped3A : memref<!tpu.dma_semaphore, #tpu.memory_space<semaphore_mem>>) src(%dma_wait3A_275 : memref<1024xi32, #tpu.memory_space<vmem>>) dst(%dma_wait3A_273 : memref<1024xi32, #tpu.memory_space<hbm>>)
        tpu.yield
      }) : () -> ()
    } else {
    }
    return
  }
}

module attributes {stable_mosaic.version = 14 : i64} {
  func.func @_tc_gate_body(%arg0: i32, %arg1: memref<512x2048xf32, #tpu.memory_space<vmem>>, %arg2: memref<16x2048xf32, #tpu.memory_space<vmem>>, %arg3: memref<16x8192xi32, #tpu.memory_space<vmem>>, %arg4: memref<16x128xi32, #tpu.memory_space<vmem>>) attributes {dimension_semantics = [#tpu.dimension_semantics<arbitrary>], iteration_bounds = array<i64: 16>, scalar_prefetch = 0 : i64, scratch_operands = 0 : i64, tpu.core_type = #tpu.core_type<tc>, window_params = [{transform_indices = @transform_0, window_bounds = array<i64: 512, 2048>}, {pipeline_mode = #tpu.pipeline_mode<synchronous>, transform_indices = @transform_1, window_bounds = array<i64: 16, 2048>}, {pipeline_mode = #tpu.pipeline_mode<synchronous>, transform_indices = @transform_2, window_bounds = array<i64: 16, 8192>}, {pipeline_mode = #tpu.pipeline_mode<synchronous>, transform_indices = @transform_3, window_bounds = array<i64: 16, 128>}]} {
    %get3A = arith.constant 0 : index
    %get3A_0 = arith.constant 0 : index
    %get3A_1 = vector.load %arg2[%get3A, %get3A_0] : memref<16x2048xf32, #tpu.memory_space<vmem>>, vector<16x2048xf32>
    %get3A_2 = arith.constant 0 : index
    %get3A_3 = arith.constant 0 : index
    %get3A_4 = vector.load %arg1[%get3A_2, %get3A_3] : memref<512x2048xf32, #tpu.memory_space<vmem>>, vector<512x2048xf32>
    %dot_general3A = arith.constant dense<0.000000e+00> : vector<16x512xf32>
    %dot_general3A_5 = tpu.matmul %get3A_1, %get3A_4, %dot_general3A {dimension_numbers = #tpu.dot_dimension_numbers<[1], [1], [0], [0], [0, 0, 1, 0], [], []>, transpose_lhs_hint = false} : vector<16x2048xf32>, vector<512x2048xf32>, vector<16x512xf32> -> vector<16x512xf32>
    %logistic3A = arith.negf %dot_general3A_5 : vector<16x512xf32>
    %logistic3A_6 = math.exp %logistic3A : vector<16x512xf32>
    %logistic3A_7 = arith.constant 1.000000e+00 : f32
    %logistic3A_8 = vector.broadcast %logistic3A_7 : f32 to vector<16x512xf32>
    %logistic3A_9 = arith.addf %logistic3A_8, %logistic3A_6 : vector<16x512xf32>
    %logistic3A_10 = arith.divf %logistic3A_8, %logistic3A_9 : vector<16x512xf32>
    %bitcast_convert_type3A = tpu.bitcast %logistic3A_10 : vector<16x512xf32> -> vector<16x512xi32>
    %mul3A = arith.constant 512 : i32
    %mul3A_11 = arith.muli %arg0, %mul3A : i32
    %swap3A = arith.constant 0 : index
    %swap3A_12 = arith.index_cast %mul3A_11 : i32 to index
    %swap3A_13 = vector.load %arg3[%swap3A, %swap3A_12] : memref<16x8192xi32, #tpu.memory_space<vmem>>, vector<16x512xi32>
    tpu.vector_store %arg3[%swap3A, %swap3A_12], %bitcast_convert_type3A {strides = array<i32>} : memref<16x8192xi32, #tpu.memory_space<vmem>>, vector<16x512xi32>,
    %eq3A = arith.constant 15 : i32
    %eq3A_14 = arith.cmpi eq, %arg0, %eq3A : i32
    %convert_element_type3A = arith.extui %eq3A_14 : i1 to i32
    %cond3A = arith.constant 0 : i32
    %cond3A_15 = arith.cmpi ne, %convert_element_type3A, %cond3A : i32
    scf.if %cond3A_15 {
      %get3A_16 = arith.constant 0 : index
      %get3A_17 = arith.constant 0 : index
      %get3A_18 = vector.load %arg3[%get3A_16, %get3A_17] : memref<16x8192xi32, #tpu.memory_space<vmem>>, vector<16x8192xi32>
      %broadcast_in_dim3A = arith.constant 0 : i32
      %broadcast_in_dim3A_19 = vector.broadcast %broadcast_in_dim3A : i32 to vector<16x1xi32>
      %broadcast_in_dim3A_20 = arith.constant 1065353217 : i32
      %broadcast_in_dim3A_21 = vector.broadcast %broadcast_in_dim3A_20 : i32 to vector<16x1xi32>
      %scan3A = arith.constant 0 : i32
      %scan3A_22 = arith.constant 30 : i32
      %scan3A_23 = arith.addi %scan3A, %scan3A_22 : i32
      %scan3A_24 = arith.constant 1 : i32
      %scan3A_25:2 = scf.for %scan3A_43 = %scan3A to %scan3A_23 step %scan3A_24 iter_args(%scan3A_44 = %broadcast_in_dim3A_19, %scan3A_45 = %broadcast_in_dim3A_21) -> (vector<16x1xi32>, vector<16x1xi32>)  : i32 {
        %add3A_46 = arith.addi %scan3A_44, %scan3A_45 : vector<16x1xi32>
        %shift_right_arithmetic3A_47 = arith.constant 1 : i32
        %shift_right_arithmetic3A_48 = vector.broadcast %shift_right_arithmetic3A_47 : i32 to vector<16x1xi32>
        %shift_right_arithmetic3A_49 = arith.shrsi %add3A_46, %shift_right_arithmetic3A_48 : vector<16x1xi32>
        %ge3A_50 = vector.broadcast %shift_right_arithmetic3A_49 : vector<16x1xi32> to vector<16x8192xi32>
        %ge3A_51 = arith.cmpi sge, %get3A_18, %ge3A_50 : vector<16x8192xi32>
        %convert_element_type3A_52 = arith.extui %ge3A_51 : vector<16x8192xi1> to vector<16x8192xi32>
        %reduce_sum3A_53 = arith.constant dense<0> : vector<16xi32>
        %reduce_sum3A_54 = vector.multi_reduction <add>, %convert_element_type3A_52, %reduce_sum3A_53 [1] : vector<16x8192xi32> to vector<16xi32>
        %broadcast_in_dim3A_55 = vector.shape_cast %reduce_sum3A_54 : vector<16xi32> to vector<16x1xi32>
        %ge3A_56 = arith.constant 1024 : i32
        %ge3A_57 = vector.broadcast %ge3A_56 : i32 to vector<16x1xi32>
        %ge3A_58 = arith.cmpi sge, %broadcast_in_dim3A_55, %ge3A_57 : vector<16x1xi32>
        %select_n3A_59 = arith.select %ge3A_58, %shift_right_arithmetic3A_49, %scan3A_44 : vector<16x1xi1>, vector<16x1xi32>
        %select_n3A_60 = arith.select %ge3A_58, %scan3A_45, %shift_right_arithmetic3A_49 : vector<16x1xi1>, vector<16x1xi32>
        scf.yield %select_n3A_59, %select_n3A_60 : vector<16x1xi32>, vector<16x1xi32>
      }
      %ge3A = vector.broadcast %scan3A_25#0 : vector<16x1xi32> to vector<16x8192xi32>
      %ge3A_26 = arith.cmpi sge, %get3A_18, %ge3A : vector<16x8192xi32>
      %convert_element_type3A_27 = arith.extui %ge3A_26 : vector<16x8192xi1> to vector<16x8192xi32>
      %reduce_sum3A = arith.constant dense<0> : vector<16xi32>
      %reduce_sum3A_28 = vector.multi_reduction <add>, %convert_element_type3A_27, %reduce_sum3A [1] : vector<16x8192xi32> to vector<16xi32>
      %broadcast_in_dim3A_29 = vector.shape_cast %reduce_sum3A_28 : vector<16xi32> to vector<16x1xi32>
      %add3A = arith.constant 15 : i32
      %add3A_30 = vector.broadcast %add3A : i32 to vector<16x1xi32>
      %add3A_31 = arith.addi %broadcast_in_dim3A_29, %add3A_30 : vector<16x1xi32>
      %shift_right_arithmetic3A = arith.constant 4 : i32
      %shift_right_arithmetic3A_32 = vector.broadcast %shift_right_arithmetic3A : i32 to vector<16x1xi32>
      %shift_right_arithmetic3A_33 = arith.shrsi %add3A_31, %shift_right_arithmetic3A_32 : vector<16x1xi32>
      %iota3A = tpu.iota {dimensions = array<i32: 1>} : vector<16x128xi32>
      %lt3A = arith.constant 16 : i32
      %lt3A_34 = vector.broadcast %lt3A : i32 to vector<16x128xi32>
      %lt3A_35 = arith.cmpi slt, %iota3A, %lt3A_34 : vector<16x128xi32>
      %broadcast_in_dim3A_36 = vector.shape_cast %scan3A_25#0 : vector<16x1xi32> to vector<16x1xi32>
      %broadcast_in_dim3A_37 = vector.broadcast %broadcast_in_dim3A_36 : vector<16x1xi32> to vector<16x128xi32>
      %broadcast_in_dim3A_38 = vector.shape_cast %shift_right_arithmetic3A_33 : vector<16x1xi32> to vector<16x1xi32>
      %broadcast_in_dim3A_39 = vector.broadcast %broadcast_in_dim3A_38 : vector<16x1xi32> to vector<16x128xi32>
      %select_n3A = arith.select %lt3A_35, %broadcast_in_dim3A_37, %broadcast_in_dim3A_39 : vector<16x128xi1>, vector<16x128xi32>
      %swap3A_40 = arith.constant 0 : index
      %swap3A_41 = arith.constant 0 : index
      %swap3A_42 = vector.load %arg4[%swap3A_40, %swap3A_41] : memref<16x128xi32, #tpu.memory_space<vmem>>, vector<16x128xi32>
      tpu.vector_store %arg4[%swap3A_40, %swap3A_41], %select_n3A {strides = array<i32>} : memref<16x128xi32, #tpu.memory_space<vmem>>, vector<16x128xi32>,
    } else {
    }
    return
  }
  func.func @transform_0(%arg0: i32) -> (i32, i32) {
    %c0_i32 = arith.constant 0 : i32
    %c0_i32_0 = arith.constant 0 : i32
    return %arg0, %c0_i32 : i32, i32
  }
  func.func @transform_1(%arg0: i32) -> (i32, i32) {
    %c0_i32 = arith.constant 0 : i32
    %c0_i32_0 = arith.constant 0 : i32
    %c0_i32_1 = arith.constant 0 : i32
    return %c0_i32, %c0_i32_0 : i32, i32
  }
  func.func @transform_2(%arg0: i32) -> (i32, i32) {
    %c0_i32 = arith.constant 0 : i32
    %c0_i32_0 = arith.constant 0 : i32
    %c0_i32_1 = arith.constant 0 : i32
    return %c0_i32, %c0_i32_0 : i32, i32
  }
  func.func @transform_3(%arg0: i32) -> (i32, i32) {
    %c0_i32 = arith.constant 0 : i32
    %c0_i32_0 = arith.constant 0 : i32
    %c0_i32_1 = arith.constant 0 : i32
    return %c0_i32, %c0_i32_0 : i32, i32
  }
}

</mosaic_0001>

<sc_bundles>
// kernel: kernel.4.cloned.1.call-start
scs
__scs_entry_jumppad:
0x0: {  	(pc) =	sbr.rel $0x88, $3  }
0x1: {  	(tag) =	ssettag $0x0;
	lr =	simm.s32 $0x1  }
0x2: {  	[smem:$0x3F9F] =	sst lr;
	_ =	strace $0xD0000000  }
0x3: {  	_ = 	snop  }
0x4: {  	_ = 	snop  }
0x5: {  	_ = 	snop  }
0x6: {  	_ = 	snop  }
0x7: {  	_ = 	snop  }
__scs_overlays_trampoline_lowered:
0x8: {  	[smem:$0x3FAE] =	sst s0  }
0x9: {  	[smem:$0x3FAF] =	sst s1  }
0xa: {  	[smem:$0x3FB0] =	sst s2  }
0xb: {  	[smem:$0x3FB1] =	sst s3  }
0xc: {  	[smem:$0x3FB2] =	sst s4  }
0xd: {  	[smem:$0x3FB3] =	sst s5  }
0xe: {  	[smem:$0x3FB4] =	sst s6  }
0xf: {  	[smem:$0x3FB5] =	sst s7  }
0x10: {  	[smem:$0x3FB6] =	sst s8  }
0x11: {  	[smem:$0x3FB7] =	sst s9;
	s0 =	simm.s32 @!p0 $0x0  }
0x12: {  	s1 =	sld [smem:$0x3F9D];
	s0 =	simm.s32 @p0 $0x1  }
0x13: {  	[smem:$0x3FB8] =	sst s0;
	s0 =	simm.s32 @!p1 $0x0  }
0x14: {  	s2 =	sld [smem:$0x3F9C];
	s0 =	simm.s32 @p1 $0x1  }
0x15: {  	[smem:$0x3FB9] =	sst s0;
	s0 =	simm.s32 @!p2 $0x0  }
0x16: {  	s3 =	sld [smem:$0x3FDB];
	s0 =	simm.s32 @p2 $0x1  }
0x17: {  	s4 =	simm.s32 $0x1BF5;
	[smem:$0x3FBB] =	sst s0  }
0x18: {  	s0 =	sld [smem:$0x3F9E];
	_ =	swait.ge [sflag:s4], $0x0  }
0x19: {  	s7 =	sld [smem:$0x3F9F]  }
0x1a: {  	s8 =	sadd.s32 $0xFFFFE003, lr  }
0x1b: {  	s9 =	sadd.s32 $0xFFFFFEF7, lr;
	s5 =	simm.s32 $0xFFFFFFFF;
	p2 =	slt.u32 s8, $0xFFFFF086  }
0x1c: {  	p1 =	slt.u32 s9, $0xF7A;
	s5 =	simm.s32 @!p2 $0x0  }
0x1d: {  	s5 =	simm.s32 @p1 $0x1;
	p0 =	seq.s32 s7, s2  }
0x1e: {  	s7 =	smul.u32 @!p0 $0xF7A, s2;
	p2 =	seq.s32 @!p0 s5, $0x0  }
0x1f: {  	s9 =	smul.u32 $0xF7A, s1;
	s8 =	simm.s32 @!p0 $0x1BF5;
	p2 =	por !p2, p0  }
0x20: {  	[sflag:s8] =	ssyncset.s32 @!p0 $0xFFFFF086;
	s6 =	sadd.s32 @!p0 s3, s7;
	s7 =	simm.s32 @!p0 $0x108  }
0x21: {  	s3 =	sadd.s32 s3, s9;
	s6 =	sadd.s32 @!p0 $0x88, s6;
	s7 =	simm.s32 @p2 $0x1082  }
0x22: {  	[simem:s7], [sflag:s8] =	dma.local @!p0 [hbm:s6], $0xF7A  }
0x23: {  	s9 =	sor.u32 $0xD0000000, s2;
	s6 =	simm.s32 $0x108;
	_ =	swait.ge @!p0 [sflag:s8], $0x0  }
0x24: {  	s3 =	sadd.s32 $0x88, s3;
	s6 =	simm.s32 @!p1 $0x1082;
	[sflag:s4] =	ssyncset.s32 $0xFFFFF086  }
0x25: {  	[simem:s6], [sflag:s4] =	dma.local [hbm:s3], $0xF7A  }
0x26: {  	[smem:$0x3F9F] =	sst s1;
	(tag) =	ssettag s2;
	_ =	strace s9  }
0x27: {  	s1 =	sld [smem:$0x3FAF]  }
0x28: {  	s2 =	sld [smem:$0x3FB0]  }
0x29: {  	s4 =	sld [smem:$0x3FB2]  }
0x2a: {  	p0 =	seq.s32 s5, $0x0;
	s5 =	sld [smem:$0x3FB3]  }
0x2b: {  	s6 =	sld [smem:$0x3FB4]  }
0x2c: {  	s7 =	sld [smem:$0x3FB5]  }
0x2d: {  	s3 =	simm.s32 $0x108;
	s8 =	sld [smem:$0x3FB6]  }
0x2e: {  	s3 =	simm.s32 @!p0 $0x1082;
	s9 =	sld [smem:$0x3FB7]  }
0x2f: {  	lr =	sadd.s32 s0, s3;
	s0 =	sld [smem:$0x3FAE]  }
0x30: {  	s3 =	sld [smem:$0x3FB1]  }
0x31: {  	[smem:$0x3FBA] =	sst s10  }
0x32: {  	s10 =	sld [smem:$0x3FB8];
	_ =	sdelay $0x3  }
0x33: {  	p0 =	seq.s32 s10, $0x1;
	s10 =	sld [smem:$0x3FBA];
	_ =	sdelay $0x3  }
0x34: {  	[smem:$0x3FBA] =	sst s10  }
0x35: {  	s10 =	sld [smem:$0x3FB9];
	_ =	sdelay $0x3  }
0x36: {  	p1 =	seq.s32 s10, $0x1;
	s10 =	sld [smem:$0x3FBA];
	_ =	sdelay $0x3  }
0x37: {  	[smem:$0x3FBA] =	sst s10  }
0x38: {  	s10 =	sld [smem:$0x3FBB]  }
0x39: {  	_ = 	snop;
	(pc) =	sbr.ind lr, $3  }
0x3a: {  	_ = 	snop  }
0x3b: {  	_ = 	snop  }
0x3c: {  	p2 =	seq.s32 s10, $0x1;
	s10 =	sld [smem:$0x3FBA]  }
0x3d: {  	_ =	shalt  }
0x3e: {  	_ =	shalt  }
0x3f: {  	_ =	shalt  }
0x40: {  	_ =	shalt  }
0x41: {  	_ =	shalt  }
0x42: {  	_ =	shalt  }
0x43: {  	_ =	shalt  }
0x44: {  	_ =	shalt  }
0x45: {  	_ =	shalt  }
0x46: {  	_ =	shalt  }
0x47: {  	_ =	shalt  }
0x48: {  	_ =	shalt  }
0x49: {  	_ =	shalt  }
0x4a: {  	_ =	shalt  }
0x4b: {  	_ =	shalt  }
0x4c: {  	_ =	shalt  }
0x4d: {  	_ =	shalt  }
0x4e: {  	_ =	shalt  }
0x4f: {  	_ =	shalt  }
0x50: {  	_ =	shalt  }
0x51: {  	_ =	shalt  }
0x52: {  	_ =	shalt  }
0x53: {  	_ =	shalt  }
0x54: {  	_ =	shalt  }
0x55: {  	_ =	shalt  }
0x56: {  	_ =	shalt  }
0x57: {  	_ =	shalt  }
0x58: {  	_ =	shalt  }
0x59: {  	_ =	shalt  }
0x5a: {  	_ =	shalt  }
0x5b: {  	_ =	shalt  }
0x5c: {  	_ =	shalt  }
0x5d: {  	_ =	shalt  }
0x5e: {  	_ =	shalt  }
0x5f: {  	_ =	shalt  }
0x60: {  	_ =	shalt  }
0x61: {  	_ =	shalt  }
0x62: {  	_ =	shalt  }
0x63: {  	_ =	shalt  }
0x64: {  	_ =	shalt  }
0x65: {  	_ =	shalt  }
0x66: {  	_ =	shalt  }
0x67: {  	_ =	shalt  }
0x68: {  	_ =	shalt  }
0x69: {  	_ =	shalt  }
0x6a: {  	_ =	shalt  }
0x6b: {  	_ =	shalt  }
0x6c: {  	_ =	shalt  }
0x6d: {  	_ =	shalt  }
0x6e: {  	_ =	shalt  }
0x6f: {  	_ =	shalt  }
0x70: {  	_ =	shalt  }
0x71: {  	_ =	shalt  }
0x72: {  	_ =	shalt  }
0x73: {  	_ =	shalt  }
0x74: {  	_ =	shalt  }
0x75: {  	_ =	shalt  }
0x76: {  	_ =	shalt  }
0x77: {  	_ =	shalt  }
0x78: {  	_ =	shalt  }
0x79: {  	_ =	shalt  }
0x7a: {  	_ =	shalt  }
0x7b: {  	_ =	shalt  }
0x7c: {  	_ =	shalt  }
0x7d: {  	_ =	shalt  }
0x7e: {  	_ =	shalt  }
0x7f: {  	_ =	shalt  }
0x80: {  	_ =	shalt  }
0x81: {  	_ =	shalt  }
0x82: {  	_ =	shalt  }
0x83: {  	_ =	shalt  }
0x84: {  	_ =	shalt  }
0x85: {  	_ =	shalt  }
0x86: {  	_ =	shalt  }
0x87: {  	_ =	shalt  }
.Lfunc_end0:
.L_simem_size_0:
called_computation_lowered:
.L_overlay_start_0:
0x88: {  	s2 =	sld [smem:$0x3FD9]  }
0x89: {  	s3 =	sld [smem:$0x3FFE];
	_ =	sdelay $0x1  }
0x8a: {  	s1 =	srdreg.scid  }
0x8b: {  	s0 =	sand.u32 $0x1, s1  }
0x8c: {  	s14 =	sshll.u32 s0, $0xA;
	s2 =	sadd.s32 s3, s2  }
0x8d: {  	s2 =	sadd.s32 s2, s14  }
0x8e: {  	[smem:$0x3FC6] =	sst s2  }
0x8f: {  	_ = 	snop  }
0x90: {  	s2 =	sld [smem:$0x3FD0];
	_ =	sdelay $0x2  }
0x91: {  	s15 =	simm.s32 $0xA;
	s4 =	simm.s32 $0x10  }
0x92: {  	[smem:s4], [sflag:s15] =	dma.local [hbm:s2], $0x1  }
0x93: {  	_ =	swait.eq [sflag:s15], $0x1  }
0x94: {  	[sflag:s15] =	ssyncset.done $0x0  }
0x95: {  	s16 =	sld [smem:$0x10];
	[sflag:s15] =	ssyncadd.s32 $0xFFFFFFFF  }
0x96: {  	s17 =	sld [smem:$0x11];
	(tm) =	ssettm $0x1  }
0x97: {  	s18 =	sld [smem:$0x3FFB];
	_ =	sdelay $0x3  }
0x98: {  	_ =	strace s18  }
0x99: {  	s4 =	sld [smem:$0x3FFC];
	_ =	sdelay $0x3  }
0x9a: {  	_ =	strace s4  }
0x9b: {  	s4 =	sld [smem:$0x3FFD];
	_ =	sdelay $0x3  }
0x9c: {  	_ =	strace s4  }
0x9d: {  	_ =	strace $0x8FFFFFFF  }
0x9e: {  	s19 =	sld [smem:$0x3FDB];
	_ =	sdelay $0x1  }
0x9f: {  	s5 =	simm.s32 $_scs_section_size  }
0xa0: {  	s6 =	simm.s32 $_size__tile_overlayer_lowered;
	s7 =	simm.s32 $_tile_overlayer_lowered  }
0xa1: {  	s22 =	simm.s32 $0x1BFF;
	s21 =	sshll.u32 s7, $0x1;
	s4 =	sadd.s32 s5, s19  }
0xa2: {  	s8 =	simm.s32 $0x0;
	s20 =	sshll.u32 s6, $0x1;
	s6 =	sadd.s32 s21, s4  }
0xa3: {  	[timem:s8], [sflag:s22] =	dma.local [hbm:s6], s20  }
0xa4: {  	_ =	swait.ge [sflag:s22], s20  }
0xa5: {  	s5 =	ssub.s32 $0x0, s20;
	[sflag:s22] =	ssyncset.done $0x0  }
0xa6: {  	[sflag:s22] =	ssyncadd.s32 s5;
	_ =	sdelay $0x1  }
0xa7: {  	s23 =	simm.s32 $0x1B8B  }
0xa8: {  	_ =	swait.ge [sflag:s23], $0x1  }
0xa9: {  	[sflag:s23] =	ssyncset.done $0x0  }
0xaa: {  	s25 =	simm.s32 $0x1B8E;
	s24 =	sld [smem:$0x3FFE];
	[sflag:s23] =	ssyncadd.s32 $0xFFFFFFFF  }
0xab: {  	s26 =	simm.s32 $execute0_lowered;
	[smem:$0x3FD2] =	sst s25  }
0xac: {  	s6 =	sshll.u32 s26, $0x1;
	_ =	strace $0x80000046;
	[dreg:$0x1] =	wrdreg $0xFFFFFFFF  }
0xad: {  	s28 =	simm.s32 $_size_execute0_lowered;
	s4 =	sadd.s32 s4, s6;
	[dreg:$0x0] =	wrdreg $0x0  }
0xae: {  	s6 =	sshll.u32 s28, $0x1;
	[dreg:$0x2] =	wrdreg s4  }
0xaf: {  	[dreg:$0x3] =	wrdreg s6  }
0xb0: {  	[dreg:$0x4] =	wrdreg $0xC0  }
0xb1: {  	_ =	task [dreg:s8], $0x5FFFF  }
0xb2: {  	[dreg:$0x1] =	wrdreg $0xFFFFFFFF  }
0xb3: {  	[dreg:$0x0] =	wrdreg $0x60  }
0xb4: {  	[dreg:$0x2] =	wrdreg s24  }
0xb5: {  	[dreg:$0x3] =	wrdreg s17  }
0xb6: {  	[dreg:$0x4] =	wrdreg s16  }
0xb7: {  	[dreg:$0x5] =	wrdreg $0x9  }
0xb8: {  	_ =	task.clear_ibuf [dreg:s8], $0x6FFFF;
	_ =	strace $0x90000046  }
0xb9: {  	s29 =	simm.s32 $0x9;
	_ =	strace $0x80000048  }
0xba: {  	_ =	swait.ge [sflag:s29], $0x1  }
0xbb: {  	[sflag:s29] =	ssyncadd.s32 $0xFFFFFFFF  }
0xbc: {  	_ =	strace $0x90000048  }
0xbd: {  	_ =	sfence  }
0xbe: {  	s30 =	sld [smem:$0x0];
	_ =	sdelay $0x2  }
0xbf: {  	s31 =	sshll.u32 s1, $0xD;
	s1 =	sshrl.u32 s1, $0x2  }
0xc0: {  	s3 =	sand.u32 $0x4000, s31;
	s1 =	sadd.s32 s1, s30  }
0xc1: {  	s0 =	sor.u32 s3, s0;
	s1 =	sshll.u32 s1, $0x11  }
0xc2: {  	s0 =	sor.u32 s1, s0  }
0xc3: {  	s0 =	sadd.s32 $0x8F2B, s0  }
0xc4: {  	[sflag:s0] =	ssyncadd.remote.s32 $0x1  }
0xc5: {  	_ =	sfence.sel $0xFFFF  }
0xc6: {  	[dreg:$0x0] =	wrdreg $0xFFFFFFFF;
	(pc) =	sbr.abs _section_cstart, $3  }
0xc7: {  	[dreg:$0x1] =	wrdreg $0xFFFFFFFF  }
0xc8: {  	_ =	task.clear_ibuf [dreg:s8], $0x2FFFF;
	_ =	strace $0x9FFFFFFF  }
0xc9: {  	(tm) =	ssettm $0x7FFFFFFF  }
tec
execute0_lowered:
.L_overlay_start_1:
0x0: {  	(tag) =	ssettag $0x1  }
0x1: {  	s1 =	stileid.u32  }
0x2: {  	p0 =	sgt.u32 s1, $0x7  }
.Ltmp0:
0x3: {  	s5 =	rddreg [dreg:$0x0];
	(pc) =	sbr.rel @p0 .LBB2_29-.Ltmp0, $4  }
0x4: {  	s3 =	rddreg [dreg:$0x1]  }
0x5: {  	s4 =	rddreg [dreg:$0x2];
	s2 =	simm.s32 $0x0  }
0x6: {  	[smem:$0x7FF] =	sst s2  }
0x7: {  	s0 =	rddreg [dreg:$0x3];
	_ =	strace $0x80000047  }
0x8: {  	s6 =	srdreg.scid;
	s7 =	sshll.u32 s1, $0x8  }
0x9: {  	s8 =	sshrl.u32 s1, $0x2;
	s11 =	sadd.s32 $0x1000, s5;
	s12 =	simm.s32 $0x2080  }
0xa: {  	s13 =	simm.s32 $0x4100;
	s14 =	simm.s32 $0xA280;
	s15 =	simm.s32 $0xA380  }
0xb: {  	s16 =	simm.s32 $0x6180;
	s17 =	simm.s32 $0x8200;
	s18 =	simm.s32 $0xA300  }
0xc: {  	s6 =	sand.u32 $0x1, s6;
	s7 =	sand.u32 $0x300, s7;
	s29 =	sshll.u32 s8, $0xD  }
0xd: {  	s10 =	sshll.u32 s8, $0xA;
	s9 =	sshll.u32 s6, $0x7;
	s6 =	ssub.s32 $0x2, s6  }
0xe: {  	s8 =	sshll.u32 s8, $0x10;
	s7 =	sor.u32 s9, s7;
	s31 =	sshrl.u32 s6, $0x1  }
0xf: {  	s9 =	sor.u32 s29, s7;
	s10 =	sor.u32 s10, s7;
	s7 =	sor.u32 s8, s7  }
.Ltmp1:
0x10: {  	s8 =	ssub.s32 s6, s31;
	s9 =	sshrl.u32 s9, $0x3;
	(pc) =	sbr.rel .LBB2_2-.Ltmp1, $4  }
0x11: {  	s10 =	sshrl.u32 s10, $0x3;
	s7 =	sshrl.u32 s7, $0x3;
	s30 =	sadd.s32 s9, s5  }
0x12: {  	s3 =	sadd.s32 s3, s10;
	s4 =	sadd.s32 s4, s9;
	s6 =	sadd.s32 s11, s7  }
0x13: {  	v0 =	vimm.s32 $0x0;
	s7 =	smax.u32 s8, $0x1;
	s8 =	simm.s32 $0x80;
	s9 =	simm.s32 $0x400  }
0x14: {  	v1 =	vlaneseq.u32;
	v2 =	vimm.s32 $0x1F;
	v3 =	vimm.s32 $0xF;
	s10 =	simm.s32 $0x1;
	s11 =	simm.s32 $0x2000;
	s5 =	sadd.s32 $0x5000, s30  }
.LBB2_27:
0x15: {  	v6 =	vxor.u32 $0xFFFFFFFF, v4  }
0x16: {  	v6 =	vshrl.u32 v6, $0x19  }
0x17: {  	v6 =	vand.u32 $0x1F, v6  }
0x18: {  	(xrf1) =	vunique.msk.u32 $0xffff, v6;
	_ =	sdelay $0x9  }
0x19: {  	v7 =	vld.idx.msk [tilespmem:v6+s15+$0x0], $0xffff;
	_ =	sdelay $0x3  }
0x1a: {  	_, v8, vm0 =	vpop (xrf1)  }
0x1b: {  	v7 =	vadd.s32 v8, v7  }
0x1c: {  	v7 =	vadd.s32 $0xFFFFFFFF, v7;
	_ =	sdelay $0x4  }
0x1d: {  	[tilespmem:v7+s12+$0x0] =	vst.idx.msk $0xffff, v4  }
0x1e: {  	[tilespmem:v7+s13+$0x0] =	vst.idx.msk $0xffff, v5  }
0x1f: {  	[tilespmem:v6+s15+$0x0] =	vst.idx.add.s32.msk vm0, v8  }
.LBB2_28:
0x20: {  	[hbm4b:s4+s8] =	stream.strided.scatter [tilespmem:s13], [sflag:$0x1], $0x400, s9, s8, $0x38;
	[tilespmem:$0xA400] =	vst v63  }
0x21: {  	s2 =	sadd.s32 $0x1, s2;
	_ =	swait.ge [sflag:s10], $0x400  }
0x22: {  	p0 =	sne.s32 s2, s7;
	[sflag:s10] =	ssyncset.done $0x0  }
.Ltmp2:
0x23: {  	[sflag:s10] =	ssyncadd.s32 $0xFFFFFC00;
	(pc) =	sbr.rel @!p0 .LBB2_29-.Ltmp2, $4  }
0x24: {  	[hbm4b:s5+s8] =	stream.strided.scatter [tilespmem:s12], [sflag:$0x1], $0x400, s9, s8, $0x38;
	[tilespmem:$0xA400] =	vst v63  }
0x25: {  	_ =	swait.ge [sflag:s10], $0x400  }
0x26: {  	[sflag:s10] =	ssyncset.done $0x0  }
0x27: {  	[sflag:s10] =	ssyncadd.s32 $0xFFFFFC00  }
.LBB2_2:
0x28: {  	s19 =	simm.s32 $0x0  }
0x29: {  	[tilespmem:s19], [sflag:$0x1] =	stream.strided.gather [hbm4b:s6+s8], $0x2000, s9, s8, $0x38;
	[tilespmem:$0xA400] =	vst v63  }
0x2a: {  	_ =	swait.ge [sflag:s10], $0x2000  }
0x2b: {  	[sflag:s10] =	ssyncset.done $0x0  }
0x2c: {  	[sflag:s10] =	ssyncadd.s32 $0xFFFFE000  }
0x2d: {  	[tilespmem:s11], [sflag:$0x1] =	stream.linear.gather [hbm4b:s3+s19], $0x80, $0x38;
	[tilespmem:$0xA400] =	vst v63  }
0x2e: {  	_ =	swait.ge [sflag:s10], $0x80  }
0x2f: {  	[sflag:s10] =	ssyncset.done $0x0  }
0x30: {  	[sflag:s10] =	ssyncadd.s32 $0xFFFFFF80  }
0x31: {  	[tilespmem:$0xA280] =	vst v0  }
0x32: {  	s20 =	simm.s32 $0x20;
	v14 =	vld [tilespmem:$0x2000];
	[tilespmem:$0xA290] =	vst v0  }
0x33: {  	v25 =	vld [tilespmem:s20+$0x10]  }
0x34: {  	v33 =	vld [tilespmem:s20+$0x0];
	_ =	sdelay $0x1  }
0x35: {  	v9 =	vld [tilespmem:s20+$0xFFFFFFF0];
	_ =	sdelay $0x1  }
0x36: {  	v8 =	vld [tilespmem:s20+$0xFFFFFFE0];
	vm2 =	vge.s32 v25, v14;
	v6 =	vandn.u32 $0x1F, v25  }
0x37: {  	vm1 =	vge.s32 v33, v14;
	v4 =	vandn.u32 $0x1F, v33;
	(xrf1) =	vunique.msk.u32 vm2, v6  }
0x38: {  	v7 =	vsel vm2, $0x1, v0;
	(xrf1) =	vunique.msk.u32 vm1, v4  }
0x39: {  	vm0 =	vge.s32 v9, v14;
	v5 =	vandn.u32 $0x1F, v9;
	(xrf0) =	vadd.scan.msk.s32 $0xffff, v7  }
0x3a: {  	s20 =	simm.s32 $0x60;
	v10 =	vsel vm1, $0x1, v0;
	(xrf1) =	vunique.msk.u32 vm0, v5  }
0x3b: {  	v17 =	vld [tilespmem:s20+$0xFFFFFFF0];
	vm4 =	vge.s32 v8, v14;
	v7 =	vsel vm0, $0x1, v0;
	(xrf0) =	vadd.scan.msk.s32 $0xffff, v10  }
0x3c: {  	v13 =	vld [tilespmem:s20+$0x0];
	v15 =	vandn.u32 $0x1F, v8;
	v10 =	vmpcnt.ones.xlane vm4;
	(xrf0) =	vadd.scan.msk.s32 $0xffff, v7  }
0x3d: {  	v11 =	vsel vm4, $0x1, v0;
	vm1 =	vmmov vm1;
	v7 =	vmpcnt.ones.xlane vm0;
	(xrf1) =	vunique.msk.u32 vm4, v15  }
0x3e: {  	s21 =	simm.s32 $0x30;
	(xrf0) =	vadd.scan.msk.s32 $0xffff, v11;
	v12 =	vadd.s32 v0, v10;
	v11 =	vmpcnt.ones.xlane vm1  }
0x3f: {  	v30 =	vor.u32 s21, v1;
	v16 =	vmpcnt.ones.xlane vm2;
	v10 =	vld [tilespmem:s20+$0xFFFFFFE0];
	v7 =	vadd.s32 v12, v7  }
0x40: {  	vm3 =	vmmov vm2;
	vm7 =	vge.s32 v17, v14;
	v18 =	vadd.s32 v7, v11;
	v11 =	vld [tilespmem:s20+$0x10]  }
0x41: {  	vm2 =	vmmov vm4;
	vm10 =	vge.s32 v13, v14;
	v29 =	vsel vm7, $0x1, v0;
	v19, _, _ =	vpop (xrf0)  }
0x42: {  	v28 =	vmpcnt.ones.xlane vm7;
	v16 =	vadd.s32 v18, v16;
	v20, _, _ =	vpop (xrf0);
	v18 =	vadd.s32 v19, v18  }
0x43: {  	vm0 =	vmmov vm0;
	v7 =	vadd.s32 v20, v7;
	v19, _, _ =	vpop (xrf0);
	v21 =	vadd.s32 $0xFFFFFFFF, v18  }
0x44: {  	vm5 =	vge.s32 v10, v14;
	v20 =	vadd.s32 v19, v12;
	v27 =	vadd.s32 $0xFFFFFFFF, v7;
	v12, _, _ =	vpop (xrf0)  }
0x45: {  	v12 =	vadd.s32 v12, v0;
	vm6 =	vge.s32 v11, v14;
	v18 =	vandn.u32 $0x1F, v11  }
0x46: {  	v24 =	vmpcnt.ones.xlane vm5;
	v23 =	vadd.s32 $0xFFFFFFFF, v12;
	v12 =	vandn.u32 $0x1F, v13;
	(xrf1) =	vunique.msk.u32 vm6, v18  }
0x47: {  	v32 =	vsel vm10, $0x1, v0;
	v7 =	vandn.u32 $0x1F, v10;
	v26 =	vadd.s32 $0xFFFFFFFF, v20;
	_, v22, vm8 =	vpop (xrf1);
	(xrf1) =	vunique.msk.u32 vm10, v12  }
0x48: {  	s22 =	simm.s32 $0x20;
	v19 =	vandn.u32 $0x1F, v17;
	v31 =	vsel vm6, $0x1, v0;
	v24 =	vadd.s32 v16, v24;
	[tilespmem:v21+s12+$0x0] =	vst.idx.msk vm3, v25;
	_, v20, vm4 =	vpop (xrf1)  }
0x49: {  	s23 =	simm.s32 $0x4;
	s21 =	simm.s32 $0x10;
	v28 =	vadd.s32 v24, v28;
	(xrf1) =	vunique.msk.u32 vm7, v19;
	[tilespmem:v27+s12+$0x0] =	vst.idx.msk vm1, v33;
	v33 =	vor.u32 s22, v1;
	s22 =	simm.s32 $0x0;
	_, v25, vm9 =	vpop (xrf1)  }
.LBB2_3:
0x4a: {  	s23 =	sadd.s32 $0x4, s23;
	s20 =	sadd.s32 $0x40, s20;
	(xrf0) =	vadd.scan.msk.s32 $0xffff, v31;
	[tilespmem:v27+s13+$0x0] =	vst.idx.msk vm1, v33;
	s19 =	sadd.s32 $0x40, s19;
	vm1 =	vmmov vm10  }
0x4b: {  	v27 =	vld [tilespmem:s20+$0xFFFFFFF0];
	p0 =	slt.u32 s23, $0x1FC;
	s24 =	sadd.s32 $0x10, s19;
	(xrf0) =	vadd.scan.msk.s32 $0xffff, v32;
	_, v31, vm10 =	vpop (xrf1)  }
0x4c: {  	v33 =	vsel vm5, $0x1, v0;
	v34 =	vmpcnt.ones.xlane vm1;
	v32 =	vld [tilespmem:s20+$0xFFFFFFE0];
	(xrf0) =	vadd.scan.msk.s32 $0xffff, v29;
	[tilespmem:v26+s12+$0x0] =	vst.idx.msk vm0, v9;
	v9 =	vmovc v17  }
0x4d: {  	v36 =	vmpcnt.ones.xlane vm6;
	(xrf0) =	vadd.scan.msk.s32 $0xffff, v33;
	[tilespmem:v21+s13+$0x0] =	vst.idx.msk vm3, v30;
	vm3 =	vmmov vm6  }
0x4e: {  	v29 =	vor.u32 s22, v1;
	s22 =	smov.u32 s19;
	v21 =	vadd.s32 v28, v34;
	v35 =	vld [tilespmem:s20+$0x0];
	(xrf1) =	vunique.msk.u32 vm5, v7;
	[tilespmem:v23+s12+$0x0] =	vst.idx.msk vm2, v8;
	v8 =	vmovc v10  }
0x4f: {  	v30 =	vadd.s32 v21, v36;
	v33 =	vld [tilespmem:s20+$0x10];
	[tilespmem:v23+s13+$0x0] =	vst.idx.msk vm2, v29;
	vm2 =	vmmov vm5  }
0x50: {  	v23 =	vor.u32 s21, v1;
	s21 =	smov.u32 s24;
	v10, _, _ =	vpop (xrf0);
	[tilespmem:v6+s14+$0x0] =	vst.idx.add.s32.msk vm8, v22;
	v17 =	vmov v27;
	v6 =	vmov v18  }
0x51: {  	v27 =	vadd.s32 v10, v21;
	v21, _, _ =	vpop (xrf0);
	[tilespmem:v26+s13+$0x0] =	vst.idx.msk vm0, v23;
	v10 =	vmov v32;
	vm0 =	vmmov vm7  }
0x52: {  	v23 =	vadd.s32 v21, v28;
	v21 =	vadd.s32 $0xFFFFFFFF, v27;
	v18, _, _ =	vpop (xrf0);
	[tilespmem:v5+s14+$0x0] =	vst.idx.add.s32.msk vm9, v25;
	v5 =	vmov v19  }
0x53: {  	v24 =	vadd.s32 v18, v24;
	v27 =	vadd.s32 $0xFFFFFFFF, v23;
	v18, _, _ =	vpop (xrf0);
	[tilespmem:v15+s14+$0x0] =	vst.idx.add.s32.msk vm10, v31;
	v15 =	vmov v7  }
0x54: {  	vm5 =	vge.s32 v10, v14;
	v7 =	vandn.u32 $0x1F, v10;
	v19 =	vadd.s32 v18, v16;
	_, v22, vm8 =	vpop (xrf1);
	[tilespmem:v4+s14+$0x0] =	vst.idx.add.s32.msk vm4, v20  }
0x55: {  	vm6 =	vge.s32 v33, v14;
	v18 =	vandn.u32 $0x1F, v33;
	v23 =	vadd.s32 $0xFFFFFFFF, v19;
	_, v20, vm4 =	vpop (xrf1)  }
.Ltmp3:
0x56: {  	s24 =	sadd.s32 $0x30, s19;
	v28 =	vmpcnt.ones.xlane vm5;
	vm10 =	vge.s32 v35, v14;
	v16 =	vmovc v30;
	v4 =	vmovc v12;
	v12 =	vandn.u32 $0x1F, v35;
	(pc) =	sbr.rel @p0 .LBB2_3-.Ltmp3, $4  }
0x57: {  	vm7 =	vge.s32 v17, v14;
	v19 =	vandn.u32 $0x1F, v17;
	v31 =	vsel vm6, $0x1, v0;
	(xrf1) =	vunique.msk.u32 vm6, v18;
	_, v25, vm9 =	vpop (xrf1)  }
0x58: {  	v29 =	vsel vm7, $0x1, v0;
	v34 =	vmpcnt.ones.xlane vm7;
	v26 =	vadd.s32 $0xFFFFFFFF, v24;
	(xrf1) =	vunique.msk.u32 vm10, v12  }
0x59: {  	s25 =	sadd.s32 $0x20, s19;
	v32 =	vsel vm10, $0x1, v0;
	v24 =	vadd.s32 v30, v28;
	v30 =	vor.u32 s24, v1;
	[tilespmem:v21+s12+$0x0] =	vst.idx.msk vm3, v11;
	v11 =	vmovc v33  }
0x5a: {  	v28 =	vadd.s32 v24, v34;
	v33 =	vor.u32 s25, v1;
	(xrf1) =	vunique.msk.u32 vm7, v19;
	[tilespmem:v27+s12+$0x0] =	vst.idx.msk vm1, v13;
	v13 =	vmovc v35  }
0x5b: {  	_ =	sdelay $0x1  }
0x5c: {  	(xrf0) =	vadd.scan.msk.s32 $0xffff, v31  }
0x5d: {  	(xrf0) =	vadd.scan.msk.s32 $0xffff, v32;
	_ =	sdelay $0x1  }
0x5e: {  	[tilespmem:v27+s13+$0x0] =	vst.idx.msk vm1, v33;
	vm1 =	vmmov vm10;
	(xrf1) =	vunique.msk.u32 vm5, v7  }
0x5f: {  	v14 =	vsel vm5, $0x1, v0;
	[tilespmem:v26+s12+$0x0] =	vst.idx.msk vm0, v9;
	v41 =	vmpcnt.ones.xlane vm1;
	(xrf0) =	vadd.scan.msk.s32 $0xffff, v29  }
0x60: {  	[tilespmem:v21+s13+$0x0] =	vst.idx.msk vm3, v30;
	_, v42, vm15 =	vpop (xrf1);
	(xrf0) =	vadd.scan.msk.s32 $0xffff, v14  }
0x61: {  	[tilespmem:v23+s12+$0x0] =	vst.idx.msk vm2, v8;
	v44 =	vor.u32 s22, v1;
	v43 =	vadd.s32 v28, v41;
	v45, _, _ =	vpop (xrf0)  }
0x62: {  	[tilespmem:v23+s13+$0x0] =	vst.idx.msk vm2, v44;
	v46 =	vadd.s32 v45, v43;
	v47, _, _ =	vpop (xrf0)  }
0x63: {  	v48 =	vor.u32 s21, v1;
	[tilespmem:v6+s14+$0x0] =	vst.idx.add.s32.msk vm8, v22;
	v49 =	vadd.s32 v47, v28;
	v8 =	vadd.s32 $0xFFFFFFFF, v46  }
0x64: {  	vm3 =	vmmov vm6;
	[tilespmem:v26+s13+$0x0] =	vst.idx.msk vm0, v48;
	v6 =	vadd.s32 $0xFFFFFFFF, v49  }
0x65: {  	[tilespmem:v4+s14+$0x0] =	vst.idx.add.s32.msk vm4, v20;
	v50, _, _ =	vpop (xrf0)  }
0x66: {  	[tilespmem:v5+s14+$0x0] =	vst.idx.add.s32.msk vm9, v25;
	v5 =	vadd.s32 v50, v24;
	v51, _, _ =	vpop (xrf0)  }
0x67: {  	s19 =	sadd.s32 $0x40, s19;
	vm12 =	vmmov vm5;
	[tilespmem:v15+s14+$0x0] =	vst.idx.add.s32.msk vm15, v42;
	v5 =	vadd.s32 $0xFFFFFFFF, v5;
	v52 =	vadd.s32 v51, v16  }
0x68: {  	s30 =	sadd.s32 $0x30, s19;
	_, v53, vm13 =	vpop (xrf1);
	v4 =	vadd.s32 $0xFFFFFFFF, v52;
	[tilespmem:v8+s12+$0x0] =	vst.idx.msk vm6, v11  }
0x69: {  	s20 =	sadd.s32 $0x20, s19;
	v56 =	vor.u32 s30, v1;
	[tilespmem:v6+s12+$0x0] =	vst.idx.msk vm1, v13  }
0x6a: {  	v54 =	vor.u32 s20, v1;
	_, v55, vm14 =	vpop (xrf1);
	[tilespmem:v8+s13+$0x0] =	vst.idx.msk vm3, v56  }
0x6b: {  	[tilespmem:v6+s13+$0x0] =	vst.idx.msk vm1, v54  }
0x6c: {  	v57 =	vmpcnt.ones.xlane vm6;
	_, v6, vm1 =	vpop (xrf1);
	[tilespmem:v5+s12+$0x0] =	vst.idx.msk vm7, v17  }
0x6d: {  	_, v58, vm15 =	vpop (xrf1);
	[tilespmem:v4+s12+$0x0] =	vst.idx.msk vm12, v10  }
0x6e: {  	v59 =	vor.u32 s19, v1;
	v60 =	vadd.s32 v43, v57;
	[tilespmem:v18+s14+$0x0] =	vst.idx.add.s32.msk vm13, v53  }
0x6f: {  	s19 =	sadd.s32 $0x10, s19;
	v61 =	vadd.s32 v1, v60;
	[tilespmem:v4+s13+$0x0] =	vst.idx.msk vm12, v59  }
0x70: {  	v4 =	vor.u32 s19, v1;
	[tilespmem:v12+s14+$0x0] =	vst.idx.add.s32.msk vm14, v55  }
0x71: {  	[tilespmem:v5+s13+$0x0] =	vst.idx.msk vm7, v4  }
0x72: {  	[tilespmem:v19+s14+$0x0] =	vst.idx.add.s32.msk vm1, v6  }
0x73: {  	s20 =	simm.s32 $0x2080;
	[tilespmem:v7+s14+$0x0] =	vst.idx.add.s32.msk vm15, v58  }
0x74: {  	s21 =	simm.s32 $0x4100;
	[tilespmem:v61+s20+$0x0] =	vst.idx.msk $0xffff, v0  }
0x75: {  	[tilespmem:v61+s21+$0x0] =	vst.idx.msk $0xffff, v0  }
0x76: {  	v4 =	vld [tilespmem:$0x2010];
	_ =	sdelay $0x4  }
0x77: {  	v5 =	vshll.u32 v4, $0x4  }
0x78: {  	(v2sf) =	vpush v4, $0x0;
	v5 =	vsub.s32 v5, v60  }
0x79: {  	[tilespmem:v2+s14+$0x0] =	vst.idx.add.s32.msk $0x1, v5  }
0x7a: {  	v5 =	vld [tilespmem:$0xA280];
	_ =	sdelay $0x4  }
0x7b: {  	v4 =	vld [tilespmem:$0xA290];
	(xrf0) =	vadd.scan.msk.s32 $0xffff, v5;
	_ =	sdelay $0x4  }
0x7c: {  	(xrf0) =	vadd.scan.msk.s32 $0xffff, v4  }
0x7d: {  	v62, _, _ =	vpop (xrf0)  }
0x7e: {  	[tilespmem:$0xA280] =	vst v62  }
0x7f: {  	s31 =	spop (v2sf);
	v7 =	vld.idx.msk [tilespmem:v3+s14+$0x0], $0xffff  }
0x80: {  	p0 =	slt.s32 s31, $0x1  }
.Ltmp4:
0x81: {  	v5 =	vsub.s32 v62, v5;
	(pc) =	sbr.rel @p0 .LBB2_8-.Ltmp4, $4  }
0x82: {  	v63, _, _ =	vpop (xrf0);
	[tilespmem:$0xA380] =	vst v5  }
0x83: {  	v4 =	vsub.s32 v63, v4;
	[tilespmem:$0xA300] =	vst v0  }
0x84: {  	p1 =	slt.s32 s31, $0x201;
	s19 =	smov.u32 s31;
	[tilespmem:$0xA310] =	vst v0;
	v4 =	vadd.s32 v7, v4  }
0x85: {  	vm11 =	vmmov vm7;
	s19 =	simm.s32 @!p1 $0x201;
	[tilespmem:$0xA390] =	vst v4  }
0x86: {  	p1 =	sne.s32 s19, $0x1  }
.Ltmp5:
0x87: {  	_ = 	snop;
	(pc) =	sbr.rel @!p1 .LBB2_7-.Ltmp5, $3  }
0x88: {  	_ = 	snop  }
0x89: {  	v4 =	vld [tilespmem:s20+$0x0];
	_ =	sdelay $0x1  }
0x8a: {  	v5 =	vld [tilespmem:s21+$0x0];
	s22 =	sadd.s32 $0xFFFFFFFF, s19  }
.LBB2_6:
0x8b: {  	p1 =	sne.s32 s22, $0x1;
	_ =	sdelay $0x1  }
0x8c: {  	v6 =	vandn.u32 $0x1F, v4  }
0x8d: {  	(xrf1) =	vunique.msk.u32 $0xffff, v6  }
0x8e: {  	v7 =	vxor.u32 $0xFFFFFFFF, v4  }
0x8f: {  	v7 =	vshrl.u32 v7, $0x5  }
0x90: {  	v7 =	vand.u32 $0x1F, v7  }
0x91: {  	(xrf1) =	vunique.msk.u32 $0xffff, v7;
	_ =	sdelay $0x4  }
0x92: {  	v8 =	vld.idx.msk [tilespmem:v6+s15+$0x0], $0xffff;
	_ =	sdelay $0x4  }
0x93: {  	_, v9, vm0 =	vpop (xrf1)  }
0x94: {  	v8 =	vadd.s32 v9, v8  }
0x95: {  	v8 =	vadd.s32 $0xFFFFFFFF, v8;
	_ =	sdelay $0x1  }
0x96: {  	_, v10, vm1 =	vpop (xrf1);
	_ =	sdelay $0x2  }
0x97: {  	[tilespmem:v8+s16+$0x0] =	vst.idx.msk $0xffff, v4  }
0x98: {  	[tilespmem:v8+s17+$0x0] =	vst.idx.msk $0xffff, v5  }
.Ltmp6:
0x99: {  	[tilespmem:v6+s15+$0x0] =	vst.idx.add.s32.msk vm0, v9;
	(pc) =	sbr.rel @p1 .LBB2_6-.Ltmp6, $4  }
0x9a: {  	s20 =	sadd.s32 $0x10, s20;
	[tilespmem:v7+s18+$0x0] =	vst.idx.add.s32.msk vm1, v10  }
0x9b: {  	s21 =	sadd.s32 $0x10, s21;
	v4 =	vld [tilespmem:s20+$0x0]  }
0x9c: {  	v5 =	vld [tilespmem:s21+$0x0]  }
0x9d: {  	s22 =	sadd.s32 $0xFFFFFFFF, s22  }
.LBB2_7:
0x9e: {  	_ =	sdelay $0x1  }
0x9f: {  	v6 =	vandn.u32 $0x1F, v4  }
0xa0: {  	(xrf1) =	vunique.msk.u32 $0xffff, v6  }
0xa1: {  	v7 =	vxor.u32 $0xFFFFFFFF, v4  }
0xa2: {  	v7 =	vshrl.u32 v7, $0x5  }
0xa3: {  	v7 =	vand.u32 $0x1F, v7  }
0xa4: {  	(xrf1) =	vunique.msk.u32 $0xffff, v7;
	_ =	sdelay $0x5  }
0xa5: {  	v8 =	vld.idx.msk [tilespmem:v6+s15+$0x0], $0xffff;
	_ =	sdelay $0x3  }
0xa6: {  	_, v9, vm0 =	vpop (xrf1)  }
0xa7: {  	v8 =	vadd.s32 v9, v8  }
0xa8: {  	v8 =	vadd.s32 $0xFFFFFFFF, v8;
	_ =	sdelay $0x1  }
0xa9: {  	_, v10, vm1 =	vpop (xrf1);
	_ =	sdelay $0x2  }
0xaa: {  	[tilespmem:v8+s16+$0x0] =	vst.idx.msk $0xffff, v4  }
0xab: {  	[tilespmem:v8+s17+$0x0] =	vst.idx.msk $0xffff, v5  }
0xac: {  	[tilespmem:v6+s15+$0x0] =	vst.idx.add.s32.msk vm0, v9  }
0xad: {  	[tilespmem:v7+s18+$0x0] =	vst.idx.add.s32.msk vm1, v10  }
.LBB2_8:
0xae: {  	v4 =	vld [tilespmem:$0xA300];
	_ =	sdelay $0x4  }
0xaf: {  	v5 =	vld [tilespmem:$0xA310];
	(xrf0) =	vadd.scan.msk.s32 $0xffff, v4;
	_ =	sdelay $0x4  }
0xb0: {  	(xrf0) =	vadd.scan.msk.s32 $0xffff, v5  }
0xb1: {  	v6, _, _ =	vpop (xrf0)  }
0xb2: {  	[tilespmem:$0xA300] =	vst v6  }
0xb3: {  	v7 =	vld.idx.msk [tilespmem:v3+s18+$0x0], $0xffff;
	_ =	sdelay $0x1  }
.Ltmp7:
0xb4: {  	v4 =	vsub.s32 v6, v4;
	(pc) =	sbr.rel @p0 .LBB2_12-.Ltmp7, $4  }
0xb5: {  	v8, _, _ =	vpop (xrf0);
	[tilespmem:$0xA380] =	vst v4  }
0xb6: {  	v5 =	vsub.s32 v8, v5;
	[tilespmem:$0xA280] =	vst v0  }
0xb7: {  	[tilespmem:$0xA290] =	vst v0;
	v4 =	vadd.s32 v7, v5  }
0xb8: {  	[tilespmem:$0xA390] =	vst v4  }
0xb9: {  	p1 =	sne.s32 s19, $0x1  }
.Ltmp8:
0xba: {  	s20 =	simm.s32 $0x6180;
	(pc) =	sbr.rel @!p1 .LBB2_11-.Ltmp8, $3  }
0xbb: {  	v4 =	vld [tilespmem:s20+$0x0];
	_ =	sdelay $0x1  }
0xbc: {  	s21 =	simm.s32 $0x8200  }
0xbd: {  	s22 =	sadd.s32 $0xFFFFFFFF, s19;
	v5 =	vld [tilespmem:s21+$0x0]  }
.LBB2_10:
0xbe: {  	p1 =	sne.s32 s22, $0x1  }
0xbf: {  	v6 =	vxor.u32 $0xFFFFFFFF, v4  }
0xc0: {  	v7 =	vshrl.u32 v6, $0x5  }
0xc1: {  	v7 =	vand.u32 $0x1F, v7  }
0xc2: {  	(xrf1) =	vunique.msk.u32 $0xffff, v7;
	_ =	sdelay $0x1  }
0xc3: {  	v6 =	vshrl.u32 v6, $0xA  }
0xc4: {  	v6 =	vand.u32 $0x1F, v6  }
0xc5: {  	(xrf1) =	vunique.msk.u32 $0xffff, v6;
	_ =	sdelay $0x4  }
0xc6: {  	v8 =	vld.idx.msk [tilespmem:v7+s15+$0x0], $0xffff;
	_ =	sdelay $0x4  }
0xc7: {  	_, v9, vm0 =	vpop (xrf1)  }
0xc8: {  	v8 =	vadd.s32 v9, v8  }
0xc9: {  	v8 =	vadd.s32 $0xFFFFFFFF, v8;
	_ =	sdelay $0x1  }
0xca: {  	_, v10, vm1 =	vpop (xrf1);
	_ =	sdelay $0x2  }
0xcb: {  	[tilespmem:v8+s12+$0x0] =	vst.idx.msk $0xffff, v4  }
0xcc: {  	[tilespmem:v8+s13+$0x0] =	vst.idx.msk $0xffff, v5  }
0xcd: {  	[tilespmem:v7+s15+$0x0] =	vst.idx.add.s32.msk vm0, v9  }
.Ltmp9:
0xce: {  	s20 =	sadd.s32 $0x10, s20;
	[tilespmem:v6+s14+$0x0] =	vst.idx.add.s32.msk vm1, v10;
	(pc) =	sbr.rel @p1 .LBB2_10-.Ltmp9, $3  }
0xcf: {  	s21 =	sadd.s32 $0x10, s21;
	v4 =	vld [tilespmem:s20+$0x0]  }
0xd0: {  	v5 =	vld [tilespmem:s21+$0x0];
	_ =	sdelay $0x1  }
0xd1: {  	s22 =	sadd.s32 $0xFFFFFFFF, s22  }
.LBB2_11:
0xd2: {  	_ = 	snop  }
0xd3: {  	v6 =	vxor.u32 $0xFFFFFFFF, v4  }
0xd4: {  	v7 =	vshrl.u32 v6, $0x5  }
0xd5: {  	v7 =	vand.u32 $0x1F, v7  }
0xd6: {  	(xrf1) =	vunique.msk.u32 $0xffff, v7;
	_ =	sdelay $0x1  }
0xd7: {  	v6 =	vshrl.u32 v6, $0xA  }
0xd8: {  	v6 =	vand.u32 $0x1F, v6  }
0xd9: {  	(xrf1) =	vunique.msk.u32 $0xffff, v6;
	_ =	sdelay $0x5  }
0xda: {  	v8 =	vld.idx.msk [tilespmem:v7+s15+$0x0], $0xffff;
	_ =	sdelay $0x3  }
0xdb: {  	_, v9, vm0 =	vpop (xrf1)  }
0xdc: {  	v8 =	vadd.s32 v9, v8  }
0xdd: {  	v8 =	vadd.s32 $0xFFFFFFFF, v8;
	_ =	sdelay $0x1  }
0xde: {  	_, v10, vm1 =	vpop (xrf1);
	_ =	sdelay $0x2  }
0xdf: {  	[tilespmem:v8+s12+$0x0] =	vst.idx.msk $0xffff, v4  }
0xe0: {  	[tilespmem:v8+s13+$0x0] =	vst.idx.msk $0xffff, v5  }
0xe1: {  	[tilespmem:v7+s15+$0x0] =	vst.idx.add.s32.msk vm0, v9  }
0xe2: {  	[tilespmem:v6+s14+$0x0] =	vst.idx.add.s32.msk vm1, v10  }
.LBB2_12:
0xe3: {  	v4 =	vld [tilespmem:$0xA280];
	_ =	sdelay $0x4  }
0xe4: {  	v5 =	vld [tilespmem:$0xA290];
	(xrf0) =	vadd.scan.msk.s32 $0xffff, v4;
	_ =	sdelay $0x4  }
0xe5: {  	(xrf0) =	vadd.scan.msk.s32 $0xffff, v5  }
0xe6: {  	v6, _, _ =	vpop (xrf0)  }
0xe7: {  	[tilespmem:$0xA280] =	vst v6  }
0xe8: {  	v7 =	vld.idx.msk [tilespmem:v3+s14+$0x0], $0xffff;
	_ =	sdelay $0x1  }
.Ltmp10:
0xe9: {  	v4 =	vsub.s32 v6, v4;
	(pc) =	sbr.rel @p0 .LBB2_16-.Ltmp10, $4  }
0xea: {  	v8, _, _ =	vpop (xrf0);
	[tilespmem:$0xA380] =	vst v4  }
0xeb: {  	v5 =	vsub.s32 v8, v5;
	[tilespmem:$0xA300] =	vst v0  }
0xec: {  	[tilespmem:$0xA310] =	vst v0;
	v4 =	vadd.s32 v7, v5  }
0xed: {  	[tilespmem:$0xA390] =	vst v4  }
0xee: {  	p1 =	sne.s32 s19, $0x1  }
.Ltmp11:
0xef: {  	s20 =	simm.s32 $0x2080;
	(pc) =	sbr.rel @!p1 .LBB2_15-.Ltmp11, $3  }
0xf0: {  	v4 =	vld [tilespmem:s20+$0x0];
	_ =	sdelay $0x1  }
0xf1: {  	s21 =	simm.s32 $0x4100  }
0xf2: {  	s22 =	sadd.s32 $0xFFFFFFFF, s19;
	v5 =	vld [tilespmem:s21+$0x0]  }
.LBB2_14:
0xf3: {  	p1 =	sne.s32 s22, $0x1  }
0xf4: {  	v6 =	vxor.u32 $0xFFFFFFFF, v4  }
0xf5: {  	v7 =	vshrl.u32 v6, $0xA  }
0xf6: {  	v7 =	vand.u32 $0x1F, v7  }
0xf7: {  	(xrf1) =	vunique.msk.u32 $0xffff, v7;
	_ =	sdelay $0x1  }
0xf8: {  	v6 =	vshrl.u32 v6, $0xF  }
0xf9: {  	v6 =	vand.u32 $0x1F, v6  }
0xfa: {  	(xrf1) =	vunique.msk.u32 $0xffff, v6;
	_ =	sdelay $0x4  }
0xfb: {  	v8 =	vld.idx.msk [tilespmem:v7+s15+$0x0], $0xffff;
	_ =	sdelay $0x4  }
0xfc: {  	_, v9, vm0 =	vpop (xrf1)  }
0xfd: {  	v8 =	vadd.s32 v9, v8  }
0xfe: {  	v8 =	vadd.s32 $0xFFFFFFFF, v8;
	_ =	sdelay $0x1  }
0xff: {  	_, v10, vm1 =	vpop (xrf1);
	_ =	sdelay $0x2  }
0x100: {  	[tilespmem:v8+s16+$0x0] =	vst.idx.msk $0xffff, v4  }
0x101: {  	[tilespmem:v8+s17+$0x0] =	vst.idx.msk $0xffff, v5  }
0x102: {  	[tilespmem:v7+s15+$0x0] =	vst.idx.add.s32.msk vm0, v9  }
.Ltmp12:
0x103: {  	s20 =	sadd.s32 $0x10, s20;
	[tilespmem:v6+s18+$0x0] =	vst.idx.add.s32.msk vm1, v10;
	(pc) =	sbr.rel @p1 .LBB2_14-.Ltmp12, $3  }
0x104: {  	s21 =	sadd.s32 $0x10, s21;
	v4 =	vld [tilespmem:s20+$0x0]  }
0x105: {  	v5 =	vld [tilespmem:s21+$0x0];
	_ =	sdelay $0x1  }
0x106: {  	s22 =	sadd.s32 $0xFFFFFFFF, s22  }
.LBB2_15:
0x107: {  	_ = 	snop  }
0x108: {  	v6 =	vxor.u32 $0xFFFFFFFF, v4  }
0x109: {  	v7 =	vshrl.u32 v6, $0xA  }
0x10a: {  	v7 =	vand.u32 $0x1F, v7  }
0x10b: {  	(xrf1) =	vunique.msk.u32 $0xffff, v7;
	_ =	sdelay $0x1  }
0x10c: {  	v6 =	vshrl.u32 v6, $0xF  }
0x10d: {  	v6 =	vand.u32 $0x1F, v6  }
0x10e: {  	(xrf1) =	vunique.msk.u32 $0xffff, v6;
	_ =	sdelay $0x5  }
0x10f: {  	v8 =	vld.idx.msk [tilespmem:v7+s15+$0x0], $0xffff;
	_ =	sdelay $0x3  }
0x110: {  	_, v9, vm0 =	vpop (xrf1)  }
0x111: {  	v8 =	vadd.s32 v9, v8  }
0x112: {  	v8 =	vadd.s32 $0xFFFFFFFF, v8;
	_ =	sdelay $0x1  }
0x113: {  	_, v10, vm1 =	vpop (xrf1);
	_ =	sdelay $0x2  }
0x114: {  	[tilespmem:v8+s16+$0x0] =	vst.idx.msk $0xffff, v4  }
0x115: {  	[tilespmem:v8+s17+$0x0] =	vst.idx.msk $0xffff, v5  }
0x116: {  	[tilespmem:v7+s15+$0x0] =	vst.idx.add.s32.msk vm0, v9  }
0x117: {  	[tilespmem:v6+s18+$0x0] =	vst.idx.add.s32.msk vm1, v10  }
.LBB2_16:
0x118: {  	v4 =	vld [tilespmem:$0xA300];
	_ =	sdelay $0x4  }
0x119: {  	v5 =	vld [tilespmem:$0xA310];
	(xrf0) =	vadd.scan.msk.s32 $0xffff, v4;
	_ =	sdelay $0x4  }
0x11a: {  	(xrf0) =	vadd.scan.msk.s32 $0xffff, v5  }
0x11b: {  	v6, _, _ =	vpop (xrf0)  }
0x11c: {  	[tilespmem:$0xA300] =	vst v6  }
0x11d: {  	v7 =	vld.idx.msk [tilespmem:v3+s18+$0x0], $0xffff;
	_ =	sdelay $0x1  }
.Ltmp13:
0x11e: {  	v4 =	vsub.s32 v6, v4;
	(pc) =	sbr.rel @p0 .LBB2_20-.Ltmp13, $4  }
0x11f: {  	v8, _, _ =	vpop (xrf0);
	[tilespmem:$0xA380] =	vst v4  }
0x120: {  	v5 =	vsub.s32 v8, v5;
	[tilespmem:$0xA280] =	vst v0  }
0x121: {  	[tilespmem:$0xA290] =	vst v0;
	v4 =	vadd.s32 v7, v5  }
0x122: {  	[tilespmem:$0xA390] =	vst v4  }
0x123: {  	p1 =	sne.s32 s19, $0x1  }
.Ltmp14:
0x124: {  	s20 =	simm.s32 $0x6180;
	(pc) =	sbr.rel @!p1 .LBB2_19-.Ltmp14, $3  }
0x125: {  	v4 =	vld [tilespmem:s20+$0x0];
	_ =	sdelay $0x1  }
0x126: {  	s21 =	simm.s32 $0x8200  }
0x127: {  	s22 =	sadd.s32 $0xFFFFFFFF, s19;
	v5 =	vld [tilespmem:s21+$0x0]  }
.LBB2_18:
0x128: {  	p1 =	sne.s32 s22, $0x1  }
0x129: {  	v6 =	vxor.u32 $0xFFFFFFFF, v4  }
0x12a: {  	v7 =	vshrl.u32 v6, $0xF  }
0x12b: {  	v7 =	vand.u32 $0x1F, v7  }
0x12c: {  	(xrf1) =	vunique.msk.u32 $0xffff, v7;
	_ =	sdelay $0x1  }
0x12d: {  	v6 =	vshrl.u32 v6, $0x14  }
0x12e: {  	v6 =	vand.u32 $0x1F, v6  }
0x12f: {  	(xrf1) =	vunique.msk.u32 $0xffff, v6;
	_ =	sdelay $0x4  }
0x130: {  	v8 =	vld.idx.msk [tilespmem:v7+s15+$0x0], $0xffff;
	_ =	sdelay $0x4  }
0x131: {  	_, v9, vm0 =	vpop (xrf1)  }
0x132: {  	v8 =	vadd.s32 v9, v8  }
0x133: {  	v8 =	vadd.s32 $0xFFFFFFFF, v8;
	_ =	sdelay $0x1  }
0x134: {  	_, v10, vm1 =	vpop (xrf1);
	_ =	sdelay $0x2  }
0x135: {  	[tilespmem:v8+s12+$0x0] =	vst.idx.msk $0xffff, v4  }
0x136: {  	[tilespmem:v8+s13+$0x0] =	vst.idx.msk $0xffff, v5  }
0x137: {  	[tilespmem:v7+s15+$0x0] =	vst.idx.add.s32.msk vm0, v9  }
.Ltmp15:
0x138: {  	s20 =	sadd.s32 $0x10, s20;
	[tilespmem:v6+s14+$0x0] =	vst.idx.add.s32.msk vm1, v10;
	(pc) =	sbr.rel @p1 .LBB2_18-.Ltmp15, $3  }
0x139: {  	s21 =	sadd.s32 $0x10, s21;
	v4 =	vld [tilespmem:s20+$0x0]  }
0x13a: {  	v5 =	vld [tilespmem:s21+$0x0];
	_ =	sdelay $0x1  }
0x13b: {  	s22 =	sadd.s32 $0xFFFFFFFF, s22  }
.LBB2_19:
0x13c: {  	_ = 	snop  }
0x13d: {  	v6 =	vxor.u32 $0xFFFFFFFF, v4  }
0x13e: {  	v7 =	vshrl.u32 v6, $0xF  }
0x13f: {  	v7 =	vand.u32 $0x1F, v7  }
0x140: {  	(xrf1) =	vunique.msk.u32 $0xffff, v7;
	_ =	sdelay $0x1  }
0x141: {  	v6 =	vshrl.u32 v6, $0x14  }
0x142: {  	v6 =	vand.u32 $0x1F, v6  }
0x143: {  	(xrf1) =	vunique.msk.u32 $0xffff, v6;
	_ =	sdelay $0x5  }
0x144: {  	v8 =	vld.idx.msk [tilespmem:v7+s15+$0x0], $0xffff;
	_ =	sdelay $0x3  }
0x145: {  	_, v9, vm0 =	vpop (xrf1)  }
0x146: {  	v8 =	vadd.s32 v9, v8  }
0x147: {  	v8 =	vadd.s32 $0xFFFFFFFF, v8;
	_ =	sdelay $0x1  }
0x148: {  	_, v10, vm1 =	vpop (xrf1);
	_ =	sdelay $0x2  }
0x149: {  	[tilespmem:v8+s12+$0x0] =	vst.idx.msk $0xffff, v4  }
0x14a: {  	[tilespmem:v8+s13+$0x0] =	vst.idx.msk $0xffff, v5  }
0x14b: {  	[tilespmem:v7+s15+$0x0] =	vst.idx.add.s32.msk vm0, v9  }
0x14c: {  	[tilespmem:v6+s14+$0x0] =	vst.idx.add.s32.msk vm1, v10  }
.LBB2_20:
0x14d: {  	v4 =	vld [tilespmem:$0xA280];
	_ =	sdelay $0x4  }
0x14e: {  	v5 =	vld [tilespmem:$0xA290];
	(xrf0) =	vadd.scan.msk.s32 $0xffff, v4;
	_ =	sdelay $0x4  }
0x14f: {  	(xrf0) =	vadd.scan.msk.s32 $0xffff, v5  }
0x150: {  	v6, _, _ =	vpop (xrf0)  }
0x151: {  	[tilespmem:$0xA280] =	vst v6  }
0x152: {  	v7 =	vld.idx.msk [tilespmem:v3+s14+$0x0], $0xffff;
	_ =	sdelay $0x1  }
.Ltmp16:
0x153: {  	v4 =	vsub.s32 v6, v4;
	(pc) =	sbr.rel @p0 .LBB2_24-.Ltmp16, $4  }
0x154: {  	v8, _, _ =	vpop (xrf0);
	[tilespmem:$0xA380] =	vst v4  }
0x155: {  	v5 =	vsub.s32 v8, v5;
	[tilespmem:$0xA300] =	vst v0  }
0x156: {  	[tilespmem:$0xA310] =	vst v0;
	v4 =	vadd.s32 v7, v5  }
0x157: {  	[tilespmem:$0xA390] =	vst v4  }
0x158: {  	p1 =	sne.s32 s19, $0x1  }
.Ltmp17:
0x159: {  	s20 =	simm.s32 $0x2080;
	(pc) =	sbr.rel @!p1 .LBB2_23-.Ltmp17, $3  }
0x15a: {  	v4 =	vld [tilespmem:s20+$0x0];
	_ =	sdelay $0x1  }
0x15b: {  	s21 =	simm.s32 $0x4100  }
0x15c: {  	s22 =	sadd.s32 $0xFFFFFFFF, s19;
	v5 =	vld [tilespmem:s21+$0x0]  }
.LBB2_22:
0x15d: {  	p1 =	sne.s32 s22, $0x1  }
0x15e: {  	v6 =	vxor.u32 $0xFFFFFFFF, v4  }
0x15f: {  	v7 =	vshrl.u32 v6, $0x14  }
0x160: {  	v7 =	vand.u32 $0x1F, v7  }
0x161: {  	(xrf1) =	vunique.msk.u32 $0xffff, v7;
	_ =	sdelay $0x1  }
0x162: {  	v6 =	vshrl.u32 v6, $0x19  }
0x163: {  	v6 =	vand.u32 $0x1F, v6  }
0x164: {  	(xrf1) =	vunique.msk.u32 $0xffff, v6;
	_ =	sdelay $0x4  }
0x165: {  	v8 =	vld.idx.msk [tilespmem:v7+s15+$0x0], $0xffff;
	_ =	sdelay $0x4  }
0x166: {  	_, v9, vm0 =	vpop (xrf1)  }
0x167: {  	v8 =	vadd.s32 v9, v8  }
0x168: {  	v8 =	vadd.s32 $0xFFFFFFFF, v8;
	_ =	sdelay $0x1  }
0x169: {  	_, v10, vm1 =	vpop (xrf1);
	_ =	sdelay $0x2  }
0x16a: {  	[tilespmem:v8+s16+$0x0] =	vst.idx.msk $0xffff, v4  }
0x16b: {  	[tilespmem:v8+s17+$0x0] =	vst.idx.msk $0xffff, v5  }
0x16c: {  	[tilespmem:v7+s15+$0x0] =	vst.idx.add.s32.msk vm0, v9  }
.Ltmp18:
0x16d: {  	s20 =	sadd.s32 $0x10, s20;
	[tilespmem:v6+s18+$0x0] =	vst.idx.add.s32.msk vm1, v10;
	(pc) =	sbr.rel @p1 .LBB2_22-.Ltmp18, $3  }
0x16e: {  	s21 =	sadd.s32 $0x10, s21;
	v4 =	vld [tilespmem:s20+$0x0]  }
0x16f: {  	v5 =	vld [tilespmem:s21+$0x0];
	_ =	sdelay $0x1  }
0x170: {  	s22 =	sadd.s32 $0xFFFFFFFF, s22  }
.LBB2_23:
0x171: {  	_ = 	snop  }
0x172: {  	v6 =	vxor.u32 $0xFFFFFFFF, v4  }
0x173: {  	v7 =	vshrl.u32 v6, $0x14  }
0x174: {  	v7 =	vand.u32 $0x1F, v7  }
0x175: {  	(xrf1) =	vunique.msk.u32 $0xffff, v7;
	_ =	sdelay $0x1  }
0x176: {  	v6 =	vshrl.u32 v6, $0x19  }
0x177: {  	v6 =	vand.u32 $0x1F, v6  }
0x178: {  	(xrf1) =	vunique.msk.u32 $0xffff, v6;
	_ =	sdelay $0x5  }
0x179: {  	v8 =	vld.idx.msk [tilespmem:v7+s15+$0x0], $0xffff;
	_ =	sdelay $0x3  }
0x17a: {  	_, v9, vm0 =	vpop (xrf1)  }
0x17b: {  	v8 =	vadd.s32 v9, v8  }
0x17c: {  	v8 =	vadd.s32 $0xFFFFFFFF, v8;
	_ =	sdelay $0x1  }
0x17d: {  	_, v10, vm1 =	vpop (xrf1);
	_ =	sdelay $0x2  }
0x17e: {  	[tilespmem:v8+s16+$0x0] =	vst.idx.msk $0xffff, v4  }
0x17f: {  	[tilespmem:v8+s17+$0x0] =	vst.idx.msk $0xffff, v5  }
0x180: {  	[tilespmem:v7+s15+$0x0] =	vst.idx.add.s32.msk vm0, v9  }
0x181: {  	[tilespmem:v6+s18+$0x0] =	vst.idx.add.s32.msk vm1, v10  }
.LBB2_24:
0x182: {  	v4 =	vld [tilespmem:$0xA300];
	_ =	sdelay $0x4  }
0x183: {  	v5 =	vld [tilespmem:$0xA310];
	(xrf0) =	vadd.scan.msk.s32 $0xffff, v4;
	_ =	sdelay $0x4  }
0x184: {  	(xrf0) =	vadd.scan.msk.s32 $0xffff, v5  }
0x185: {  	v6, _, _ =	vpop (xrf0)  }
0x186: {  	[tilespmem:$0xA300] =	vst v6  }
0x187: {  	v7 =	vld.idx.msk [tilespmem:v3+s18+$0x0], $0xffff;
	_ =	sdelay $0x1  }
.Ltmp19:
0x188: {  	_ = 	snop;
	(pc) =	sbr.rel @p0 .LBB2_28-.Ltmp19, $4  }
0x189: {  	v8, _, _ =	vpop (xrf0)  }
0x18a: {  	v4 =	vsub.s32 v6, v4;
	v5 =	vsub.s32 v8, v5  }
0x18b: {  	[tilespmem:$0xA380] =	vst v4;
	v4 =	vadd.s32 v7, v5  }
0x18c: {  	[tilespmem:$0xA390] =	vst v4  }
0x18d: {  	s20 =	simm.s32 $0x6180;
	p0 =	sne.s32 s19, $0x1  }
.Ltmp20:
0x18e: {  	v4 =	vld [tilespmem:s20+$0x0];
	(pc) =	sbr.rel @!p0 .LBB2_27-.Ltmp20, $3  }
0x18f: {  	_ =	sdelay $0x1  }
0x190: {  	s21 =	simm.s32 $0x8200  }
0x191: {  	s19 =	sadd.s32 $0xFFFFFFFF, s19;
	v5 =	vld [tilespmem:s21+$0x0]  }
.LBB2_26:
0x192: {  	p0 =	sne.s32 s19, $0x1;
	_ =	sdelay $0x1  }
0x193: {  	v6 =	vxor.u32 $0xFFFFFFFF, v4  }
0x194: {  	v6 =	vshrl.u32 v6, $0x19  }
0x195: {  	v6 =	vand.u32 $0x1F, v6  }
0x196: {  	(xrf1) =	vunique.msk.u32 $0xffff, v6;
	_ =	sdelay $0x8  }
0x197: {  	v7 =	vld.idx.msk [tilespmem:v6+s15+$0x0], $0xffff;
	_ =	sdelay $0x4  }
0x198: {  	_, v8, vm0 =	vpop (xrf1)  }
0x199: {  	v7 =	vadd.s32 v8, v7  }
0x19a: {  	v7 =	vadd.s32 $0xFFFFFFFF, v7;
	_ =	sdelay $0x4  }
0x19b: {  	[tilespmem:v7+s12+$0x0] =	vst.idx.msk $0xffff, v4  }
.Ltmp21:
0x19c: {  	[tilespmem:v7+s13+$0x0] =	vst.idx.msk $0xffff, v5;
	(pc) =	sbr.rel @p0 .LBB2_26-.Ltmp21, $4  }
0x19d: {  	s20 =	sadd.s32 $0x10, s20;
	[tilespmem:v6+s15+$0x0] =	vst.idx.add.s32.msk vm0, v8  }
0x19e: {  	s21 =	sadd.s32 $0x10, s21;
	v4 =	vld [tilespmem:s20+$0x0]  }
0x19f: {  	v5 =	vld [tilespmem:s21+$0x0]  }
0x1a0: {  	s19 =	sadd.s32 $0xFFFFFFFF, s19  }
.Ltmp22:
0x1a1: {  	_ = 	snop;
	(pc) =	sbr.rel .LBB2_27-.Ltmp22, $1  }
0x1a2: {  	_ =	sdelay $0x3  }
.LBB2_29:
0x1a3: {  	_ =	sfence.sel $0x180000  }
0x1a4: {  	[bflag:$0x0] =	sbarrier.arrive $0xFFFF  }
0x1a5: {  	p0 =	sne.s32 s1, $0x0;
	_ =	strace $0x90000047  }
0x1a6: {  	s0 =	sadd.s32 @!p0 $0x100000, s0;
	[bflag:$0x2] =	sbarrier.arrive $0xFFFF  }
0x1a7: {  	[sflag:s0] =	ssyncadd.tile.s32 @!p0 $0x1;
	_ =	shalt  }
.Lfunc_end2:
_tile_overlayer_lowered:
.L_overlay_start_2:
0x1a8: {  	(tag) =	ssettag $0x2  }
0x1a9: {  	s0 =	rddreg [dreg:$0x0];
	s2 =	stileid.u32  }
0x1aa: {  	s1 =	rddreg [dreg:$0x1];
	p0 =	sne.s32 s2, $0x0  }
0x1ab: {  	s3 =	rddreg [dreg:$0x2];
	[bflag:$0x3] =	sbarrier.arrive $0xFFFF;
	s2 =	simm.s32 @!p0 $0x1C01  }
0x1ac: {  	[timem:s3], [sflag:s2] =	dma.local @!p0 [hbm:s0], s1  }
0x1ad: {  	s0 =	simm.s32 @!p0 $0x1  }
0x1ae: {  	_ =	swait.ge @!p0 [sflag:s0], s1  }
0x1af: {  	s1 =	ssub.s32 @!p0 $0x0, s1;
	[sflag:s0] =	ssyncset.done @!p0 $0x0  }
0x1b0: {  	[sflag:s0] =	ssyncadd.s32 @!p0 s1  }
0x1b1: {  	[bflag:$0x3] =	sbarrier.arrive $0xFFFF  }
0x1b2: {  	_ =	shalt  }

</sc_bundles>
